<compile_context>
chip_gen: v7x
topology: tpu7x:2x2x1
jax: 0.10.2.dev20260603
libtpu: 0.0.44.dev20260713+nightly
codegen_flags: <defaults>
</compile_context>

<pallas_src>
import jax
import jax.numpy as jnp
from jax import lax
from jax.experimental import pallas as pl
from jax.experimental.pallas import tpu as pltpu
from jax.experimental.pallas import tpu_sc as plsc

_CASCADE = 2
_CELLS = 128 ** 3
_DECAY = 0.95
_DTHRESH = 10.0
_NW = 32
_L = 16
_R = _CELLS // _NW
_ICHUNK = 8192
_NICHUNK = _CELLS // _ICHUNK
_DCHUNK = 4096


def _sc_body(idx_hbm, sig_hbm, den_hbm, upd_hbm, part_hbm,
             tmp, ib0, ib1, sb0, sb1,
             d_buf, u_buf, p_buf, sem0, sem1):
  wid = lax.axis_index("s") * 2 + lax.axis_index("c")
  base = wid * _R
  zeros = jnp.zeros((_L,), jnp.float32)
  neg1 = jnp.full((_L,), -1.0, jnp.float32)
  ibs = (ib0, ib1)
  sbs = (sb0, sb1)
  sems = (sem0, sem1)

  def _issue(cas, c, p):
    off = c * _ICHUNK
    pltpu.async_copy(idx_hbm.at[pl.ds(off, _ICHUNK)], ibs[p], sems[p])
    pltpu.async_copy(sig_hbm.at[cas, pl.ds(off, _ICHUNK)], sbs[p], sems[p])

  def _drain(p):
    pltpu.make_async_copy(idx_hbm.at[pl.ds(0, _ICHUNK)], ibs[p],
                          sems[p]).wait()
    pltpu.make_async_copy(sig_hbm.at[0, pl.ds(0, _ICHUNK)], sbs[p],
                          sems[p]).wait()

  accs = (zeros, zeros)
  for cas in range(_CASCADE):
    def _init(t):
      tmp[pl.ds(t * _L, _L)] = neg1
    pl.loop(0, _R // _L)(_init)

    _issue(cas, 0, 0)

    def _chunk(c):
      for p in range(2):
        cc = c * 2 + p

        @pl.when(cc + 1 < _NICHUNK)
        def _():
          _issue(cas, cc + 1, 1 - p)

        _drain(p)

        def _vec(k):
          vs = [ibs[p][pl.ds((k * 8 + j) * _L, _L)] for j in range(8)]
          ss = [sbs[p][pl.ds((k * 8 + j) * _L, _L)] for j in range(8)]
          for j in range(8):
            own = (vs[j] >> 16) == wid
            rel = vs[j] & 0xFFFF
            plsc.store_scatter(tmp, [rel], ss[j], mask=own)
        pl.loop(0, _ICHUNK // _L // 8)(_vec)
    pl.loop(0, _NICHUNK // 2)(_chunk)

    def _blk(b, acc):
      pltpu.sync_copy(
          den_hbm.at[cas, pl.ds(base + b * _DCHUNK, _DCHUNK)], d_buf)

      def _cell(k, a):
        a_s, a_c = a
        d = d_buf[pl.ds(k * _L, _L)]
        t = tmp[pl.ds(b * _DCHUNK + k * _L, _L)]
        valid = d >= 0
        upd = jnp.where(valid, jnp.maximum(d * jnp.float32(_DECAY), t), d)
        u_buf[pl.ds(k * _L, _L)] = upd
        return (a_s + jnp.where(valid, upd, zeros),
                a_c + jnp.where(valid, jnp.float32(1.0), zeros))
      acc = pl.loop(0, _DCHUNK // _L, init_carry=acc, unroll=4)(_cell)
      pltpu.sync_copy(
          u_buf, upd_hbm.at[cas, pl.ds(base + b * _DCHUNK, _DCHUNK)])
      return acc
    accs = pl.loop(0, _R // _DCHUNK, init_carry=accs)(_blk)

  p_buf[pl.ds(0, _L)] = accs[0]
  p_buf[pl.ds(_L, _L)] = accs[1]
  pltpu.sync_copy(p_buf, part_hbm.at[wid])


def _sc_scatter_update(indices, sigmas, density):
  kernel_fn = pl.kernel(
      _sc_body,
      out_type=[
          jax.ShapeDtypeStruct((_CASCADE, _CELLS), jnp.float32),
          jax.ShapeDtypeStruct((_NW, 2 * _L), jnp.float32),
      ],
      mesh=plsc.VectorSubcoreMesh(core_axis_name="c", subcore_axis_name="s"),
      compiler_params=pltpu.CompilerParams(needs_layout_passes=False),
      scratch_types=[
          pltpu.VMEM((_R,), jnp.float32),
          pltpu.VMEM((_ICHUNK,), jnp.int32),
          pltpu.VMEM((_ICHUNK,), jnp.int32),
          pltpu.VMEM((_ICHUNK,), jnp.float32),
          pltpu.VMEM((_ICHUNK,), jnp.float32),
          pltpu.VMEM((_DCHUNK,), jnp.float32),
          pltpu.VMEM((_DCHUNK,), jnp.float32),
          pltpu.VMEM((2 * _L,), jnp.float32),
          pltpu.SemaphoreType.DMA,
          pltpu.SemaphoreType.DMA,
      ],
  )
  return kernel_fn(indices, sigmas, density)


def _pack_body(t_ref, x_ref, o_ref):
  t = t_ref[0, 0]
  occ = (x_ref[...] > t).astype(jnp.float32)
  li = lax.broadcasted_iota(jnp.int32, (128, 16), 0)
  ki = lax.broadcasted_iota(jnp.int32, (128, 16), 1)
  pmat = jnp.where(li // 8 == ki, jnp.int32(1) << (li % 8), 0)
  o_ref[...] = jnp.dot(occ, pmat.astype(jnp.float32),
                       preferred_element_type=jnp.float32)


def _tc_pack(updated, thresh):
  rows = _CASCADE * _CELLS // 128
  blk = 1024
  x = updated.reshape(rows, 128)
  out = pl.pallas_call(
      _pack_body,
      grid=(rows // blk,),
      in_specs=[
          pl.BlockSpec((1, 1), lambda i: (0, 0),
                       memory_space=pltpu.SMEM),
          pl.BlockSpec((blk, 128), lambda i: (i, 0)),
      ],
      out_specs=pl.BlockSpec((blk, 16), lambda i: (i, 0)),
      out_shape=jax.ShapeDtypeStruct((rows, 16), jnp.float32),
  )(thresh.reshape(1, 1), x)
  return out.astype(jnp.uint8).reshape(_CASCADE * _CELLS // 8)


def kernel(density_grid, indices, sigmas):
  updated, partials = _sc_scatter_update(indices, sigmas, density_grid)
  total = jnp.sum(partials[:, :_L])
  count = jnp.sum(partials[:, _L:])
  mean_density = total / jnp.maximum(count, 1.0)
  thresh = jnp.minimum(mean_density, jnp.float32(_DTHRESH))
  bitfield = _tc_pack(updated, thresh)
  return updated, mean_density, bitfield

# --- scband reference (transcript-rebuilt; emitter-appended) ---
"""Pipeline reference for scband-ne-rfrenderer-29222957482545 (READ-ONLY COPY).

The authoritative reference and input builder live on the scoring server;
editing this copy changes nothing except your own understanding.
"""

import jax, jax.numpy as jnp
import numpy as np

CASCADE = 2
GRID = 128
CELLS = GRID ** 3
DECAY = 0.95
DENSITY_THRESH = 10.0


def setup_inputs(seed: int = 0) -> dict:
    key = jax.random.key(seed)
    k1, k2, k3 = jax.random.split(key, 3)
    # density_grid starts non-negative (valid cells); mimic a partially-trained grid
    density_grid = jax.random.uniform(k1, (CASCADE, CELLS), dtype=jnp.float32) * 20.0
    # morton indices of the sampled grid coords (full sweep over the grid, one scatter per cascade)
    indices = jax.random.randint(k2, (CELLS,), 0, CELLS, dtype=jnp.int32)
    # freshly queried sigmas from the density MLP for each cascade
    sigmas = jax.random.uniform(k3, (CASCADE, CELLS), dtype=jnp.float32) * 20.0
    return {"density_grid": density_grid, "indices": indices, "sigmas": sigmas}


def reference(density_grid, indices, sigmas):
    # ---- update_extra_state core ----
    # tmp_grid = -torch.ones_like(self.density_grid)
    tmp_grid = -jnp.ones_like(density_grid)
    # tmp_grid[cas, indices] = sigmas  (scatter-overwrite per cascade)
    for cas in range(CASCADE):
        tmp_grid = tmp_grid.at[cas, indices].set(sigmas[cas])
    # valid_mask = self.density_grid >= 0
    valid_mask = density_grid >= 0
    # density_grid[valid_mask] = maximum(density_grid[valid_mask] * decay, tmp_grid[valid_mask])
    updated = jnp.where(valid_mask, jnp.maximum(density_grid * DECAY, tmp_grid), density_grid)
    # mean_density = mean over valid cells (post-update)
    n_valid = jnp.maximum(jnp.sum(valid_mask.astype(jnp.float32)), 1.0)
    mean_density = jnp.sum(jnp.where(valid_mask, updated, 0.0)) / n_valid
    # density_thresh = min(mean_density, self.density_thresh)
    thresh = jnp.minimum(mean_density, DENSITY_THRESH)
    # packbits: 1 bit per cell, 8 cells per uint8 byte
    occ = (updated.reshape(-1) > thresh)
    bits = occ.reshape(-1, 8).astype(jnp.uint8)
    weights = (2 ** jnp.arange(8)).astype(jnp.uint8)
    bitfield = jnp.sum(bits * weights, axis=-1).astype(jnp.uint8)
    return updated, mean_density, bitfield

if __name__ == "__main__":
    import jax
    _d = setup_inputs()
    print(jax.jit(kernel)(*tuple(_d.values())))

</pallas_src>

<mosaic_0001>
#map = affine_map<(d0, d1) -> (0)>
#map1 = affine_map<(d0, d1) -> (0, 0)>
module attributes {stable_mosaic.version = 14 : i64} {
  func.func @_sc_body(%arg0: i32, %arg1: i32, %arg2: memref<2097152xi32, #tpu.memory_space<hbm>>, %arg3: memref<2x2097152xf32, #tpu.memory_space<hbm>>, %arg4: memref<2x2097152xf32, #tpu.memory_space<hbm>>, %arg5: memref<2x2097152xf32, #tpu.memory_space<hbm>>, %arg6: memref<32x32xf32, #tpu.memory_space<hbm>>, %arg7: memref<65536xf32, #tpu.memory_space<vmem>>, %arg8: memref<8192xi32, #tpu.memory_space<vmem>>, %arg9: memref<8192xi32, #tpu.memory_space<vmem>>, %arg10: memref<8192xf32, #tpu.memory_space<vmem>>, %arg11: memref<8192xf32, #tpu.memory_space<vmem>>, %arg12: memref<4096xf32, #tpu.memory_space<vmem>>, %arg13: memref<4096xf32, #tpu.memory_space<vmem>>, %arg14: memref<32xf32, #tpu.memory_space<vmem>>, %arg15: memref<!tpu.dma_semaphore, #tpu.memory_space<semaphore_mem>>, %arg16: memref<!tpu.dma_semaphore, #tpu.memory_space<semaphore_mem>>) attributes {dimension_semantics = [#tpu.dimension_semantics<core_parallel>, #tpu.dimension_semantics<subcore_parallel>], iteration_bounds = array<i64: 2, 16>, scalar_prefetch = 0 : i64, scratch_operands = 10 : i64, tpu.core_type = #tpu.core_type<sc_vector_subcore>, window_params = [{transform_indices = #map}, {transform_indices = #map1}, {transform_indices = #map1}, {transform_indices = #map1}, {transform_indices = #map1}]} {
    %mul3A = arith.constant 2 : i32
    %mul3A_0 = arith.muli %arg1, %mul3A : i32
    %add3A = arith.addi %mul3A_0, %arg0 : i32
    %mul3A_1 = arith.constant 65536 : i32
    %mul3A_2 = arith.muli %add3A, %mul3A_1 : i32
    %broadcast_in_dim3A = arith.constant 0.000000e+00 : f32
    %broadcast_in_dim3A_3 = vector.broadcast %broadcast_in_dim3A : f32 to vector<16xf32>
    %broadcast_in_dim3A_4 = arith.constant -1.000000e+00 : f32
    %broadcast_in_dim3A_5 = vector.broadcast %broadcast_in_dim3A_4 : f32 to vector<16xf32>
    %scan3A = arith.constant 0 : i32
    %scan3A_6 = arith.constant 4096 : i32
    %scan3A_7 = arith.addi %scan3A, %scan3A_6 : i32
    %scan3A_8 = arith.constant 1 : i32
    scf.for %scan3A_61 = %scan3A to %scan3A_7 step %scan3A_8  : i32 {
      %mul3A_62 = arith.constant 1 : i32
      %mul3A_63 = arith.muli %scan3A_61, %mul3A_62 : i32
      %add3A_64 = arith.constant 0 : i32
      %add3A_65 = arith.addi %add3A_64, %mul3A_63 : i32
      %mul3A_66 = arith.constant 16 : i32
      %mul3A_67 = arith.muli %add3A_65, %mul3A_66 : i32
      %swap3A_68 = arith.index_cast %mul3A_67 : i32 to index
      %swap3A_69 = tpu.vector_load %arg7[%swap3A_68] {strides = array<i32>} : memref<65536xf32, #tpu.memory_space<vmem>>, vector<16xf32>,
      tpu.vector_store %arg7[%swap3A_68], %broadcast_in_dim3A_5 {strides = array<i32>} : memref<65536xf32, #tpu.memory_space<vmem>>, vector<16xf32>,
    }
    %scan3A_9 = arith.constant 4096 : i32
    %dma_start3A = arith.constant 0 : i32
    %dma_start3A_10 = tpu.memref_slice %arg2[%dma_start3A] : memref<2097152xi32, #tpu.memory_space<hbm>> -> memref<8192xi32, #tpu.memory_space<hbm>>
    %dma_start3A_11 = arith.constant 0 : i32
    %dma_start3A_12 = tpu.memref_slice %arg2[%dma_start3A_11] : memref<2097152xi32, #tpu.memory_space<hbm>> -> memref<8192xi32, #tpu.memory_space<hbm>>
    tpu.enqueue_dma source(%dma_start3A_12 : memref<8192xi32, #tpu.memory_space<hbm>>) target(%arg8 : memref<8192xi32, #tpu.memory_space<vmem>>) target_semaphore(%arg15 : memref<!tpu.dma_semaphore, #tpu.memory_space<semaphore_mem>>)
    %dma_start3A_13 = arith.constant 0 : i32
    %dma_start3A_14 = arith.constant 0 : i32
    %dma_start3A_15 = tpu.memref_slice %arg3[%dma_start3A_13, %dma_start3A_14] : memref<2x2097152xf32, #tpu.memory_space<hbm>> -> memref<1x8192xf32, #tpu.memory_space<hbm>>
    %dma_start3A_16 = tpu.memref_squeeze %dma_start3A_15 : memref<1x8192xf32, #tpu.memory_space<hbm>> -> memref<8192xf32, #tpu.memory_space<hbm>>
    %dma_start3A_17 = arith.constant 0 : i32
    %dma_start3A_18 = tpu.memref_slice %arg3[%dma_start3A_13, %dma_start3A_17] : memref<2x2097152xf32, #tpu.memory_space<hbm>> -> memref<1x8192xf32, #tpu.memory_space<hbm>>
    %dma_start3A_19 = tpu.memref_squeeze %dma_start3A_18 : memref<1x8192xf32, #tpu.memory_space<hbm>> -> memref<8192xf32, #tpu.memory_space<hbm>>
    tpu.enqueue_dma source(%dma_start3A_19 : memref<8192xf32, #tpu.memory_space<hbm>>) target(%arg10 : memref<8192xf32, #tpu.memory_space<vmem>>) target_semaphore(%arg15 : memref<!tpu.dma_semaphore, #tpu.memory_space<semaphore_mem>>)
    %scan3A_20 = arith.constant 0 : i32
    %scan3A_21 = arith.constant 128 : i32
    %scan3A_22 = arith.addi %scan3A_20, %scan3A_21 : i32
    %scan3A_23 = arith.constant 1 : i32
    scf.for %scan3A_61 = %scan3A_20 to %scan3A_22 step %scan3A_23  : i32 {
      %mul3A_62 = arith.constant 1 : i32
      %mul3A_63 = arith.muli %scan3A_61, %mul3A_62 : i32
      %add3A_64 = arith.constant 0 : i32
      %add3A_65 = arith.addi %add3A_64, %mul3A_63 : i32
      %mul3A_66 = arith.constant 2 : i32
      %mul3A_67 = arith.muli %add3A_65, %mul3A_66 : i32
      %add3A_68 = arith.constant 0 : i32
      %add3A_69 = arith.addi %mul3A_67, %add3A_68 : i32
      %add3A_70 = arith.constant 1 : i32
      %add3A_71 = arith.addi %add3A_69, %add3A_70 : i32
      %lt3A = arith.constant 256 : i32
      %lt3A_72 = arith.cmpi slt, %add3A_71, %lt3A : i32
      %convert_element_type3A = arith.extui %lt3A_72 : i1 to i32
      %cond3A = arith.constant 0 : i32
      %cond3A_73 = arith.cmpi ne, %convert_element_type3A, %cond3A : i32
      scf.if %cond3A_73 {
        %add3A_116 = arith.constant 1 : i32
        %add3A_117 = arith.addi %add3A_69, %add3A_116 : i32
        %mul3A_118 = arith.constant 8192 : i32
        %mul3A_119 = arith.muli %add3A_117, %mul3A_118 : i32
        %dma_start3A_120 = tpu.memref_slice %arg2[%mul3A_119] : memref<2097152xi32, #tpu.memory_space<hbm>> -> memref<8192xi32, #tpu.memory_space<hbm>>
        %dma_start3A_121 = tpu.memref_slice %arg2[%mul3A_119] : memref<2097152xi32, #tpu.memory_space<hbm>> -> memref<8192xi32, #tpu.memory_space<hbm>>
        tpu.enqueue_dma source(%dma_start3A_121 : memref<8192xi32, #tpu.memory_space<hbm>>) target(%arg9 : memref<8192xi32, #tpu.memory_space<vmem>>) target_semaphore(%arg16 : memref<!tpu.dma_semaphore, #tpu.memory_space<semaphore_mem>>)
        %dma_start3A_122 = arith.constant 0 : i32
        %dma_start3A_123 = tpu.memref_slice %arg3[%dma_start3A_122, %mul3A_119] : memref<2x2097152xf32, #tpu.memory_space<hbm>> -> memref<1x8192xf32, #tpu.memory_space<hbm>>
        %dma_start3A_124 = tpu.memref_squeeze %dma_start3A_123 : memref<1x8192xf32, #tpu.memory_space<hbm>> -> memref<8192xf32, #tpu.memory_space<hbm>>
        %dma_start3A_125 = tpu.memref_slice %arg3[%dma_start3A_122, %mul3A_119] : memref<2x2097152xf32, #tpu.memory_space<hbm>> -> memref<1x8192xf32, #tpu.memory_space<hbm>>
        %dma_start3A_126 = tpu.memref_squeeze %dma_start3A_125 : memref<1x8192xf32, #tpu.memory_space<hbm>> -> memref<8192xf32, #tpu.memory_space<hbm>>
        tpu.enqueue_dma source(%dma_start3A_126 : memref<8192xf32, #tpu.memory_space<hbm>>) target(%arg11 : memref<8192xf32, #tpu.memory_space<vmem>>) target_semaphore(%arg16 : memref<!tpu.dma_semaphore, #tpu.memory_space<semaphore_mem>>)
      } else {
      }
      %dma_wait3A = arith.constant 0 : i32
      %dma_wait3A_74 = tpu.memref_slice %arg2[%dma_wait3A] : memref<2097152xi32, #tpu.memory_space<hbm>> -> memref<8192xi32, #tpu.memory_space<hbm>>
      %dma_wait3A_75 = arith.constant 0 : i32
      %dma_wait3A_76 = tpu.memref_slice %arg2[%dma_wait3A_75] : memref<2097152xi32, #tpu.memory_space<hbm>> -> memref<8192xi32, #tpu.memory_space<hbm>>
      tpu.wait_dma2 semaphore(%arg15 : memref<!tpu.dma_semaphore, #tpu.memory_space<semaphore_mem>>) src(%dma_wait3A_76 : memref<8192xi32, #tpu.memory_space<hbm>>) dst(%arg8 : memref<8192xi32, #tpu.memory_space<vmem>>)
      %dma_wait3A_77 = arith.constant 0 : i32
      %dma_wait3A_78 = arith.constant 0 : i32
      %dma_wait3A_79 = tpu.memref_slice %arg3[%dma_wait3A_77, %dma_wait3A_78] : memref<2x2097152xf32, #tpu.memory_space<hbm>> -> memref<1x8192xf32, #tpu.memory_space<hbm>>
      %dma_wait3A_80 = tpu.memref_squeeze %dma_wait3A_79 : memref<1x8192xf32, #tpu.memory_space<hbm>> -> memref<8192xf32, #tpu.memory_space<hbm>>
      %dma_wait3A_81 = arith.constant 0 : i32
      %dma_wait3A_82 = tpu.memref_slice %arg3[%dma_wait3A_77, %dma_wait3A_81] : memref<2x2097152xf32, #tpu.memory_space<hbm>> -> memref<1x8192xf32, #tpu.memory_space<hbm>>
      %dma_wait3A_83 = tpu.memref_squeeze %dma_wait3A_82 : memref<1x8192xf32, #tpu.memory_space<hbm>> -> memref<8192xf32, #tpu.memory_space<hbm>>
      tpu.wait_dma2 semaphore(%arg15 : memref<!tpu.dma_semaphore, #tpu.memory_space<semaphore_mem>>) src(%dma_wait3A_83 : memref<8192xf32, #tpu.memory_space<hbm>>) dst(%arg10 : memref<8192xf32, #tpu.memory_space<vmem>>)
      %scan3A_84 = arith.constant 0 : i32
      %scan3A_85 = arith.constant 64 : i32
      %scan3A_86 = arith.addi %scan3A_84, %scan3A_85 : i32
      %scan3A_87 = arith.constant 1 : i32
      scf.for %scan3A_116 = %scan3A_84 to %scan3A_86 step %scan3A_87  : i32 {
        %mul3A_117 = arith.constant 1 : i32
        %mul3A_118 = arith.muli %scan3A_116, %mul3A_117 : i32
        %add3A_119 = arith.constant 0 : i32
        %add3A_120 = arith.addi %add3A_119, %mul3A_118 : i32
        %mul3A_121 = arith.constant 8 : i32
        %mul3A_122 = arith.muli %add3A_120, %mul3A_121 : i32
        %add3A_123 = arith.constant 0 : i32
        %add3A_124 = arith.addi %mul3A_122, %add3A_123 : i32
        %mul3A_125 = arith.constant 16 : i32
        %mul3A_126 = arith.muli %add3A_124, %mul3A_125 : i32
        %get3A = arith.index_cast %mul3A_126 : i32 to index
        %get3A_127 = tpu.vector_load %arg8[%get3A] {strides = array<i32>} : memref<8192xi32, #tpu.memory_space<vmem>>, vector<16xi32>,
        %mul3A_128 = arith.constant 8 : i32
        %mul3A_129 = arith.muli %add3A_120, %mul3A_128 : i32
        %add3A_130 = arith.constant 1 : i32
        %add3A_131 = arith.addi %mul3A_129, %add3A_130 : i32
        %mul3A_132 = arith.constant 16 : i32
        %mul3A_133 = arith.muli %add3A_131, %mul3A_132 : i32
        %get3A_134 = arith.index_cast %mul3A_133 : i32 to index
        %get3A_135 = tpu.vector_load %arg8[%get3A_134] {strides = array<i32>} : memref<8192xi32, #tpu.memory_space<vmem>>, vector<16xi32>,
        %mul3A_136 = arith.constant 8 : i32
        %mul3A_137 = arith.muli %add3A_120, %mul3A_136 : i32
        %add3A_138 = arith.constant 2 : i32
        %add3A_139 = arith.addi %mul3A_137, %add3A_138 : i32
        %mul3A_140 = arith.constant 16 : i32
        %mul3A_141 = arith.muli %add3A_139, %mul3A_140 : i32
        %get3A_142 = arith.index_cast %mul3A_141 : i32 to index
        %get3A_143 = tpu.vector_load %arg8[%get3A_142] {strides = array<i32>} : memref<8192xi32, #tpu.memory_space<vmem>>, vector<16xi32>,
        %mul3A_144 = arith.constant 8 : i32
        %mul3A_145 = arith.muli %add3A_120, %mul3A_144 : i32
        %add3A_146 = arith.constant 3 : i32
        %add3A_147 = arith.addi %mul3A_145, %add3A_146 : i32
        %mul3A_148 = arith.constant 16 : i32
        %mul3A_149 = arith.muli %add3A_147, %mul3A_148 : i32
        %get3A_150 = arith.index_cast %mul3A_149 : i32 to index
        %get3A_151 = tpu.vector_load %arg8[%get3A_150] {strides = array<i32>} : memref<8192xi32, #tpu.memory_space<vmem>>, vector<16xi32>,
        %mul3A_152 = arith.constant 8 : i32
        %mul3A_153 = arith.muli %add3A_120, %mul3A_152 : i32
        %add3A_154 = arith.constant 4 : i32
        %add3A_155 = arith.addi %mul3A_153, %add3A_154 : i32
        %mul3A_156 = arith.constant 16 : i32
        %mul3A_157 = arith.muli %add3A_155, %mul3A_156 : i32
        %get3A_158 = arith.index_cast %mul3A_157 : i32 to index
        %get3A_159 = tpu.vector_load %arg8[%get3A_158] {strides = array<i32>} : memref<8192xi32, #tpu.memory_space<vmem>>, vector<16xi32>,
        %mul3A_160 = arith.constant 8 : i32
        %mul3A_161 = arith.muli %add3A_120, %mul3A_160 : i32
        %add3A_162 = arith.constant 5 : i32
        %add3A_163 = arith.addi %mul3A_161, %add3A_162 : i32
        %mul3A_164 = arith.constant 16 : i32
        %mul3A_165 = arith.muli %add3A_163, %mul3A_164 : i32
        %get3A_166 = arith.index_cast %mul3A_165 : i32 to index
        %get3A_167 = tpu.vector_load %arg8[%get3A_166] {strides = array<i32>} : memref<8192xi32, #tpu.memory_space<vmem>>, vector<16xi32>,
        %mul3A_168 = arith.constant 8 : i32
        %mul3A_169 = arith.muli %add3A_120, %mul3A_168 : i32
        %add3A_170 = arith.constant 6 : i32
        %add3A_171 = arith.addi %mul3A_169, %add3A_170 : i32
        %mul3A_172 = arith.constant 16 : i32
        %mul3A_173 = arith.muli %add3A_171, %mul3A_172 : i32
        %get3A_174 = arith.index_cast %mul3A_173 : i32 to index
        %get3A_175 = tpu.vector_load %arg8[%get3A_174] {strides = array<i32>} : memref<8192xi32, #tpu.memory_space<vmem>>, vector<16xi32>,
        %mul3A_176 = arith.constant 8 : i32
        %mul3A_177 = arith.muli %add3A_120, %mul3A_176 : i32
        %add3A_178 = arith.constant 7 : i32
        %add3A_179 = arith.addi %mul3A_177, %add3A_178 : i32
        %mul3A_180 = arith.constant 16 : i32
        %mul3A_181 = arith.muli %add3A_179, %mul3A_180 : i32
        %get3A_182 = arith.index_cast %mul3A_181 : i32 to index
        %get3A_183 = tpu.vector_load %arg8[%get3A_182] {strides = array<i32>} : memref<8192xi32, #tpu.memory_space<vmem>>, vector<16xi32>,
        %mul3A_184 = arith.constant 8 : i32
        %mul3A_185 = arith.muli %add3A_120, %mul3A_184 : i32
        %add3A_186 = arith.constant 0 : i32
        %add3A_187 = arith.addi %mul3A_185, %add3A_186 : i32
        %mul3A_188 = arith.constant 16 : i32
        %mul3A_189 = arith.muli %add3A_187, %mul3A_188 : i32
        %get3A_190 = arith.index_cast %mul3A_189 : i32 to index
        %get3A_191 = tpu.vector_load %arg10[%get3A_190] {strides = array<i32>} : memref<8192xf32, #tpu.memory_space<vmem>>, vector<16xf32>,
        %mul3A_192 = arith.constant 8 : i32
        %mul3A_193 = arith.muli %add3A_120, %mul3A_192 : i32
        %add3A_194 = arith.constant 1 : i32
        %add3A_195 = arith.addi %mul3A_193, %add3A_194 : i32
        %mul3A_196 = arith.constant 16 : i32
        %mul3A_197 = arith.muli %add3A_195, %mul3A_196 : i32
        %get3A_198 = arith.index_cast %mul3A_197 : i32 to index
        %get3A_199 = tpu.vector_load %arg10[%get3A_198] {strides = array<i32>} : memref<8192xf32, #tpu.memory_space<vmem>>, vector<16xf32>,
        %mul3A_200 = arith.constant 8 : i32
        %mul3A_201 = arith.muli %add3A_120, %mul3A_200 : i32
        %add3A_202 = arith.constant 2 : i32
        %add3A_203 = arith.addi %mul3A_201, %add3A_202 : i32
        %mul3A_204 = arith.constant 16 : i32
        %mul3A_205 = arith.muli %add3A_203, %mul3A_204 : i32
        %get3A_206 = arith.index_cast %mul3A_205 : i32 to index
        %get3A_207 = tpu.vector_load %arg10[%get3A_206] {strides = array<i32>} : memref<8192xf32, #tpu.memory_space<vmem>>, vector<16xf32>,
        %mul3A_208 = arith.constant 8 : i32
        %mul3A_209 = arith.muli %add3A_120, %mul3A_208 : i32
        %add3A_210 = arith.constant 3 : i32
        %add3A_211 = arith.addi %mul3A_209, %add3A_210 : i32
        %mul3A_212 = arith.constant 16 : i32
        %mul3A_213 = arith.muli %add3A_211, %mul3A_212 : i32
        %get3A_214 = arith.index_cast %mul3A_213 : i32 to index
        %get3A_215 = tpu.vector_load %arg10[%get3A_214] {strides = array<i32>} : memref<8192xf32, #tpu.memory_space<vmem>>, vector<16xf32>,
        %mul3A_216 = arith.constant 8 : i32
        %mul3A_217 = arith.muli %add3A_120, %mul3A_216 : i32
        %add3A_218 = arith.constant 4 : i32
        %add3A_219 = arith.addi %mul3A_217, %add3A_218 : i32
        %mul3A_220 = arith.constant 16 : i32
        %mul3A_221 = arith.muli %add3A_219, %mul3A_220 : i32
        %get3A_222 = arith.index_cast %mul3A_221 : i32 to index
        %get3A_223 = tpu.vector_load %arg10[%get3A_222] {strides = array<i32>} : memref<8192xf32, #tpu.memory_space<vmem>>, vector<16xf32>,
        %mul3A_224 = arith.constant 8 : i32
        %mul3A_225 = arith.muli %add3A_120, %mul3A_224 : i32
        %add3A_226 = arith.constant 5 : i32
        %add3A_227 = arith.addi %mul3A_225, %add3A_226 : i32
        %mul3A_228 = arith.constant 16 : i32
        %mul3A_229 = arith.muli %add3A_227, %mul3A_228 : i32
        %get3A_230 = arith.index_cast %mul3A_229 : i32 to index
        %get3A_231 = tpu.vector_load %arg10[%get3A_230] {strides = array<i32>} : memref<8192xf32, #tpu.memory_space<vmem>>, vector<16xf32>,
        %mul3A_232 = arith.constant 8 : i32
        %mul3A_233 = arith.muli %add3A_120, %mul3A_232 : i32
        %add3A_234 = arith.constant 6 : i32
        %add3A_235 = arith.addi %mul3A_233, %add3A_234 : i32
        %mul3A_236 = arith.constant 16 : i32
        %mul3A_237 = arith.muli %add3A_235, %mul3A_236 : i32
        %get3A_238 = arith.index_cast %mul3A_237 : i32 to index
        %get3A_239 = tpu.vector_load %arg10[%get3A_238] {strides = array<i32>} : memref<8192xf32, #tpu.memory_space<vmem>>, vector<16xf32>,
        %mul3A_240 = arith.constant 8 : i32
        %mul3A_241 = arith.muli %add3A_120, %mul3A_240 : i32
        %add3A_242 = arith.constant 7 : i32
        %add3A_243 = arith.addi %mul3A_241, %add3A_242 : i32
        %mul3A_244 = arith.constant 16 : i32
        %mul3A_245 = arith.muli %add3A_243, %mul3A_244 : i32
        %get3A_246 = arith.index_cast %mul3A_245 : i32 to index
        %get3A_247 = tpu.vector_load %arg10[%get3A_246] {strides = array<i32>} : memref<8192xf32, #tpu.memory_space<vmem>>, vector<16xf32>,
        %shift_right_arithmetic3A = arith.constant 16 : i32
        %shift_right_arithmetic3A_248 = vector.broadcast %shift_right_arithmetic3A : i32 to vector<16xi32>
        %shift_right_arithmetic3A_249 = arith.shrsi %get3A_127, %shift_right_arithmetic3A_248 : vector<16xi32>
        %eq3A = vector.broadcast %add3A : i32 to vector<16xi32>
        %eq3A_250 = arith.cmpi eq, %shift_right_arithmetic3A_249, %eq3A : vector<16xi32>
        %and3A = arith.constant 65535 : i32
        %and3A_251 = vector.broadcast %and3A : i32 to vector<16xi32>
        %and3A_252 = arith.andi %get3A_127, %and3A_251 : vector<16xi32>
        tpu.vector_store_idx %arg7[%and3A_252], %get3A_191 masked %eq3A_250 : memref<65536xf32, #tpu.memory_space<vmem>>[vector<16xi32>], vector<16xf32>, vector<16xi1>
        %shift_right_arithmetic3A_253 = arith.constant 16 : i32
        %shift_right_arithmetic3A_254 = vector.broadcast %shift_right_arithmetic3A_253 : i32 to vector<16xi32>
        %shift_right_arithmetic3A_255 = arith.shrsi %get3A_135, %shift_right_arithmetic3A_254 : vector<16xi32>
        %eq3A_256 = vector.broadcast %add3A : i32 to vector<16xi32>
        %eq3A_257 = arith.cmpi eq, %shift_right_arithmetic3A_255, %eq3A_256 : vector<16xi32>
        %and3A_258 = arith.constant 65535 : i32
        %and3A_259 = vector.broadcast %and3A_258 : i32 to vector<16xi32>
        %and3A_260 = arith.andi %get3A_135, %and3A_259 : vector<16xi32>
        tpu.vector_store_idx %arg7[%and3A_260], %get3A_199 masked %eq3A_257 : memref<65536xf32, #tpu.memory_space<vmem>>[vector<16xi32>], vector<16xf32>, vector<16xi1>
        %shift_right_arithmetic3A_261 = arith.constant 16 : i32
        %shift_right_arithmetic3A_262 = vector.broadcast %shift_right_arithmetic3A_261 : i32 to vector<16xi32>
        %shift_right_arithmetic3A_263 = arith.shrsi %get3A_143, %shift_right_arithmetic3A_262 : vector<16xi32>
        %eq3A_264 = vector.broadcast %add3A : i32 to vector<16xi32>
        %eq3A_265 = arith.cmpi eq, %shift_right_arithmetic3A_263, %eq3A_264 : vector<16xi32>
        %and3A_266 = arith.constant 65535 : i32
        %and3A_267 = vector.broadcast %and3A_266 : i32 to vector<16xi32>
        %and3A_268 = arith.andi %get3A_143, %and3A_267 : vector<16xi32>
        tpu.vector_store_idx %arg7[%and3A_268], %get3A_207 masked %eq3A_265 : memref<65536xf32, #tpu.memory_space<vmem>>[vector<16xi32>], vector<16xf32>, vector<16xi1>
        %shift_right_arithmetic3A_269 = arith.constant 16 : i32
        %shift_right_arithmetic3A_270 = vector.broadcast %shift_right_arithmetic3A_269 : i32 to vector<16xi32>
        %shift_right_arithmetic3A_271 = arith.shrsi %get3A_151, %shift_right_arithmetic3A_270 : vector<16xi32>
        %eq3A_272 = vector.broadcast %add3A : i32 to vector<16xi32>
        %eq3A_273 = arith.cmpi eq, %shift_right_arithmetic3A_271, %eq3A_272 : vector<16xi32>
        %and3A_274 = arith.constant 65535 : i32
        %and3A_275 = vector.broadcast %and3A_274 : i32 to vector<16xi32>
        %and3A_276 = arith.andi %get3A_151, %and3A_275 : vector<16xi32>
        tpu.vector_store_idx %arg7[%and3A_276], %get3A_215 masked %eq3A_273 : memref<65536xf32, #tpu.memory_space<vmem>>[vector<16xi32>], vector<16xf32>, vector<16xi1>
        %shift_right_arithmetic3A_277 = arith.constant 16 : i32
        %shift_right_arithmetic3A_278 = vector.broadcast %shift_right_arithmetic3A_277 : i32 to vector<16xi32>
        %shift_right_arithmetic3A_279 = arith.shrsi %get3A_159, %shift_right_arithmetic3A_278 : vector<16xi32>
        %eq3A_280 = vector.broadcast %add3A : i32 to vector<16xi32>
        %eq3A_281 = arith.cmpi eq, %shift_right_arithmetic3A_279, %eq3A_280 : vector<16xi32>
        %and3A_282 = arith.constant 65535 : i32
        %and3A_283 = vector.broadcast %and3A_282 : i32 to vector<16xi32>
        %and3A_284 = arith.andi %get3A_159, %and3A_283 : vector<16xi32>
        tpu.vector_store_idx %arg7[%and3A_284], %get3A_223 masked %eq3A_281 : memref<65536xf32, #tpu.memory_space<vmem>>[vector<16xi32>], vector<16xf32>, vector<16xi1>
        %shift_right_arithmetic3A_285 = arith.constant 16 : i32
        %shift_right_arithmetic3A_286 = vector.broadcast %shift_right_arithmetic3A_285 : i32 to vector<16xi32>
        %shift_right_arithmetic3A_287 = arith.shrsi %get3A_167, %shift_right_arithmetic3A_286 : vector<16xi32>
        %eq3A_288 = vector.broadcast %add3A : i32 to vector<16xi32>
        %eq3A_289 = arith.cmpi eq, %shift_right_arithmetic3A_287, %eq3A_288 : vector<16xi32>
        %and3A_290 = arith.constant 65535 : i32
        %and3A_291 = vector.broadcast %and3A_290 : i32 to vector<16xi32>
        %and3A_292 = arith.andi %get3A_167, %and3A_291 : vector<16xi32>
        tpu.vector_store_idx %arg7[%and3A_292], %get3A_231 masked %eq3A_289 : memref<65536xf32, #tpu.memory_space<vmem>>[vector<16xi32>], vector<16xf32>, vector<16xi1>
        %shift_right_arithmetic3A_293 = arith.constant 16 : i32
        %shift_right_arithmetic3A_294 = vector.broadcast %shift_right_arithmetic3A_293 : i32 to vector<16xi32>
        %shift_right_arithmetic3A_295 = arith.shrsi %get3A_175, %shift_right_arithmetic3A_294 : vector<16xi32>
        %eq3A_296 = vector.broadcast %add3A : i32 to vector<16xi32>
        %eq3A_297 = arith.cmpi eq, %shift_right_arithmetic3A_295, %eq3A_296 : vector<16xi32>
        %and3A_298 = arith.constant 65535 : i32
        %and3A_299 = vector.broadcast %and3A_298 : i32 to vector<16xi32>
        %and3A_300 = arith.andi %get3A_175, %and3A_299 : vector<16xi32>
        tpu.vector_store_idx %arg7[%and3A_300], %get3A_239 masked %eq3A_297 : memref<65536xf32, #tpu.memory_space<vmem>>[vector<16xi32>], vector<16xf32>, vector<16xi1>
        %shift_right_arithmetic3A_301 = arith.constant 16 : i32
        %shift_right_arithmetic3A_302 = vector.broadcast %shift_right_arithmetic3A_301 : i32 to vector<16xi32>
        %shift_right_arithmetic3A_303 = arith.shrsi %get3A_183, %shift_right_arithmetic3A_302 : vector<16xi32>
        %eq3A_304 = vector.broadcast %add3A : i32 to vector<16xi32>
        %eq3A_305 = arith.cmpi eq, %shift_right_arithmetic3A_303, %eq3A_304 : vector<16xi32>
        %and3A_306 = arith.constant 65535 : i32
        %and3A_307 = vector.broadcast %and3A_306 : i32 to vector<16xi32>
        %and3A_308 = arith.andi %get3A_183, %and3A_307 : vector<16xi32>
        tpu.vector_store_idx %arg7[%and3A_308], %get3A_247 masked %eq3A_305 : memref<65536xf32, #tpu.memory_space<vmem>>[vector<16xi32>], vector<16xf32>, vector<16xi1>
      }
      %scan3A_88 = arith.constant 64 : i32
      %mul3A_89 = arith.constant 2 : i32
      %mul3A_90 = arith.muli %add3A_65, %mul3A_89 : i32
      %add3A_91 = arith.constant 1 : i32
      %add3A_92 = arith.addi %mul3A_90, %add3A_91 : i32
      %add3A_93 = arith.constant 1 : i32
      %add3A_94 = arith.addi %add3A_92, %add3A_93 : i32
      %lt3A_95 = arith.constant 256 : i32
      %lt3A_96 = arith.cmpi slt, %add3A_94, %lt3A_95 : i32
      %convert_element_type3A_97 = arith.extui %lt3A_96 : i1 to i32
      %cond3A_98 = arith.constant 0 : i32
      %cond3A_99 = arith.cmpi ne, %convert_element_type3A_97, %cond3A_98 : i32
      scf.if %cond3A_99 {
        %add3A_116 = arith.constant 1 : i32
        %add3A_117 = arith.addi %add3A_92, %add3A_116 : i32
        %mul3A_118 = arith.constant 8192 : i32
        %mul3A_119 = arith.muli %add3A_117, %mul3A_118 : i32
        %dma_start3A_120 = tpu.memref_slice %arg2[%mul3A_119] : memref<2097152xi32, #tpu.memory_space<hbm>> -> memref<8192xi32, #tpu.memory_space<hbm>>
        %dma_start3A_121 = tpu.memref_slice %arg2[%mul3A_119] : memref<2097152xi32, #tpu.memory_space<hbm>> -> memref<8192xi32, #tpu.memory_space<hbm>>
        tpu.enqueue_dma source(%dma_start3A_121 : memref<8192xi32, #tpu.memory_space<hbm>>) target(%arg8 : memref<8192xi32, #tpu.memory_space<vmem>>) target_semaphore(%arg15 : memref<!tpu.dma_semaphore, #tpu.memory_space<semaphore_mem>>)
        %dma_start3A_122 = arith.constant 0 : i32
        %dma_start3A_123 = tpu.memref_slice %arg3[%dma_start3A_122, %mul3A_119] : memref<2x2097152xf32, #tpu.memory_space<hbm>> -> memref<1x8192xf32, #tpu.memory_space<hbm>>
        %dma_start3A_124 = tpu.memref_squeeze %dma_start3A_123 : memref<1x8192xf32, #tpu.memory_space<hbm>> -> memref<8192xf32, #tpu.memory_space<hbm>>
        %dma_start3A_125 = tpu.memref_slice %arg3[%dma_start3A_122, %mul3A_119] : memref<2x2097152xf32, #tpu.memory_space<hbm>> -> memref<1x8192xf32, #tpu.memory_space<hbm>>
        %dma_start3A_126 = tpu.memref_squeeze %dma_start3A_125 : memref<1x8192xf32, #tpu.memory_space<hbm>> -> memref<8192xf32, #tpu.memory_space<hbm>>
        tpu.enqueue_dma source(%dma_start3A_126 : memref<8192xf32, #tpu.memory_space<hbm>>) target(%arg10 : memref<8192xf32, #tpu.memory_space<vmem>>) target_semaphore(%arg15 : memref<!tpu.dma_semaphore, #tpu.memory_space<semaphore_mem>>)
      } else {
      }
      %dma_wait3A_100 = arith.constant 0 : i32
      %dma_wait3A_101 = tpu.memref_slice %arg2[%dma_wait3A_100] : memref<2097152xi32, #tpu.memory_space<hbm>> -> memref<8192xi32, #tpu.memory_space<hbm>>
      %dma_wait3A_102 = arith.constant 0 : i32
      %dma_wait3A_103 = tpu.memref_slice %arg2[%dma_wait3A_102] : memref<2097152xi32, #tpu.memory_space<hbm>> -> memref<8192xi32, #tpu.memory_space<hbm>>
      tpu.wait_dma2 semaphore(%arg16 : memref<!tpu.dma_semaphore, #tpu.memory_space<semaphore_mem>>) src(%dma_wait3A_103 : memref<8192xi32, #tpu.memory_space<hbm>>) dst(%arg9 : memref<8192xi32, #tpu.memory_space<vmem>>)
      %dma_wait3A_104 = arith.constant 0 : i32
      %dma_wait3A_105 = arith.constant 0 : i32
      %dma_wait3A_106 = tpu.memref_slice %arg3[%dma_wait3A_104, %dma_wait3A_105] : memref<2x2097152xf32, #tpu.memory_space<hbm>> -> memref<1x8192xf32, #tpu.memory_space<hbm>>
      %dma_wait3A_107 = tpu.memref_squeeze %dma_wait3A_106 : memref<1x8192xf32, #tpu.memory_space<hbm>> -> memref<8192xf32, #tpu.memory_space<hbm>>
      %dma_wait3A_108 = arith.constant 0 : i32
      %dma_wait3A_109 = tpu.memref_slice %arg3[%dma_wait3A_104, %dma_wait3A_108] : memref<2x2097152xf32, #tpu.memory_space<hbm>> -> memref<1x8192xf32, #tpu.memory_space<hbm>>
      %dma_wait3A_110 = tpu.memref_squeeze %dma_wait3A_109 : memref<1x8192xf32, #tpu.memory_space<hbm>> -> memref<8192xf32, #tpu.memory_space<hbm>>
      tpu.wait_dma2 semaphore(%arg16 : memref<!tpu.dma_semaphore, #tpu.memory_space<semaphore_mem>>) src(%dma_wait3A_110 : memref<8192xf32, #tpu.memory_space<hbm>>) dst(%arg11 : memref<8192xf32, #tpu.memory_space<vmem>>)
      %scan3A_111 = arith.constant 0 : i32
      %scan3A_112 = arith.constant 64 : i32
      %scan3A_113 = arith.addi %scan3A_111, %scan3A_112 : i32
      %scan3A_114 = arith.constant 1 : i32
      scf.for %scan3A_116 = %scan3A_111 to %scan3A_113 step %scan3A_114  : i32 {
        %mul3A_117 = arith.constant 1 : i32
        %mul3A_118 = arith.muli %scan3A_116, %mul3A_117 : i32
        %add3A_119 = arith.constant 0 : i32
        %add3A_120 = arith.addi %add3A_119, %mul3A_118 : i32
        %mul3A_121 = arith.constant 8 : i32
        %mul3A_122 = arith.muli %add3A_120, %mul3A_121 : i32
        %add3A_123 = arith.constant 0 : i32
        %add3A_124 = arith.addi %mul3A_122, %add3A_123 : i32
        %mul3A_125 = arith.constant 16 : i32
        %mul3A_126 = arith.muli %add3A_124, %mul3A_125 : i32
        %get3A = arith.index_cast %mul3A_126 : i32 to index
        %get3A_127 = tpu.vector_load %arg9[%get3A] {strides = array<i32>} : memref<8192xi32, #tpu.memory_space<vmem>>, vector<16xi32>,
        %mul3A_128 = arith.constant 8 : i32
        %mul3A_129 = arith.muli %add3A_120, %mul3A_128 : i32
        %add3A_130 = arith.constant 1 : i32
        %add3A_131 = arith.addi %mul3A_129, %add3A_130 : i32
        %mul3A_132 = arith.constant 16 : i32
        %mul3A_133 = arith.muli %add3A_131, %mul3A_132 : i32
        %get3A_134 = arith.index_cast %mul3A_133 : i32 to index
        %get3A_135 = tpu.vector_load %arg9[%get3A_134] {strides = array<i32>} : memref<8192xi32, #tpu.memory_space<vmem>>, vector<16xi32>,
        %mul3A_136 = arith.constant 8 : i32
        %mul3A_137 = arith.muli %add3A_120, %mul3A_136 : i32
        %add3A_138 = arith.constant 2 : i32
        %add3A_139 = arith.addi %mul3A_137, %add3A_138 : i32
        %mul3A_140 = arith.constant 16 : i32
        %mul3A_141 = arith.muli %add3A_139, %mul3A_140 : i32
        %get3A_142 = arith.index_cast %mul3A_141 : i32 to index
        %get3A_143 = tpu.vector_load %arg9[%get3A_142] {strides = array<i32>} : memref<8192xi32, #tpu.memory_space<vmem>>, vector<16xi32>,
        %mul3A_144 = arith.constant 8 : i32
        %mul3A_145 = arith.muli %add3A_120, %mul3A_144 : i32
        %add3A_146 = arith.constant 3 : i32
        %add3A_147 = arith.addi %mul3A_145, %add3A_146 : i32
        %mul3A_148 = arith.constant 16 : i32
        %mul3A_149 = arith.muli %add3A_147, %mul3A_148 : i32
        %get3A_150 = arith.index_cast %mul3A_149 : i32 to index
        %get3A_151 = tpu.vector_load %arg9[%get3A_150] {strides = array<i32>} : memref<8192xi32, #tpu.memory_space<vmem>>, vector<16xi32>,
        %mul3A_152 = arith.constant 8 : i32
        %mul3A_153 = arith.muli %add3A_120, %mul3A_152 : i32
        %add3A_154 = arith.constant 4 : i32
        %add3A_155 = arith.addi %mul3A_153, %add3A_154 : i32
        %mul3A_156 = arith.constant 16 : i32
        %mul3A_157 = arith.muli %add3A_155, %mul3A_156 : i32
        %get3A_158 = arith.index_cast %mul3A_157 : i32 to index
        %get3A_159 = tpu.vector_load %arg9[%get3A_158] {strides = array<i32>} : memref<8192xi32, #tpu.memory_space<vmem>>, vector<16xi32>,
        %mul3A_160 = arith.constant 8 : i32
        %mul3A_161 = arith.muli %add3A_120, %mul3A_160 : i32
        %add3A_162 = arith.constant 5 : i32
        %add3A_163 = arith.addi %mul3A_161, %add3A_162 : i32
        %mul3A_164 = arith.constant 16 : i32
        %mul3A_165 = arith.muli %add3A_163, %mul3A_164 : i32
        %get3A_166 = arith.index_cast %mul3A_165 : i32 to index
        %get3A_167 = tpu.vector_load %arg9[%get3A_166] {strides = array<i32>} : memref<8192xi32, #tpu.memory_space<vmem>>, vector<16xi32>,
        %mul3A_168 = arith.constant 8 : i32
        %mul3A_169 = arith.muli %add3A_120, %mul3A_168 : i32
        %add3A_170 = arith.constant 6 : i32
        %add3A_171 = arith.addi %mul3A_169, %add3A_170 : i32
        %mul3A_172 = arith.constant 16 : i32
        %mul3A_173 = arith.muli %add3A_171, %mul3A_172 : i32
        %get3A_174 = arith.index_cast %mul3A_173 : i32 to index
        %get3A_175 = tpu.vector_load %arg9[%get3A_174] {strides = array<i32>} : memref<8192xi32, #tpu.memory_space<vmem>>, vector<16xi32>,
        %mul3A_176 = arith.constant 8 : i32
        %mul3A_177 = arith.muli %add3A_120, %mul3A_176 : i32
        %add3A_178 = arith.constant 7 : i32
        %add3A_179 = arith.addi %mul3A_177, %add3A_178 : i32
        %mul3A_180 = arith.constant 16 : i32
        %mul3A_181 = arith.muli %add3A_179, %mul3A_180 : i32
        %get3A_182 = arith.index_cast %mul3A_181 : i32 to index
        %get3A_183 = tpu.vector_load %arg9[%get3A_182] {strides = array<i32>} : memref<8192xi32, #tpu.memory_space<vmem>>, vector<16xi32>,
        %mul3A_184 = arith.constant 8 : i32
        %mul3A_185 = arith.muli %add3A_120, %mul3A_184 : i32
        %add3A_186 = arith.constant 0 : i32
        %add3A_187 = arith.addi %mul3A_185, %add3A_186 : i32
        %mul3A_188 = arith.constant 16 : i32
        %mul3A_189 = arith.muli %add3A_187, %mul3A_188 : i32
        %get3A_190 = arith.index_cast %mul3A_189 : i32 to index
        %get3A_191 = tpu.vector_load %arg11[%get3A_190] {strides = array<i32>} : memref<8192xf32, #tpu.memory_space<vmem>>, vector<16xf32>,
        %mul3A_192 = arith.constant 8 : i32
        %mul3A_193 = arith.muli %add3A_120, %mul3A_192 : i32
        %add3A_194 = arith.constant 1 : i32
        %add3A_195 = arith.addi %mul3A_193, %add3A_194 : i32
        %mul3A_196 = arith.constant 16 : i32
        %mul3A_197 = arith.muli %add3A_195, %mul3A_196 : i32
        %get3A_198 = arith.index_cast %mul3A_197 : i32 to index
        %get3A_199 = tpu.vector_load %arg11[%get3A_198] {strides = array<i32>} : memref<8192xf32, #tpu.memory_space<vmem>>, vector<16xf32>,
        %mul3A_200 = arith.constant 8 : i32
        %mul3A_201 = arith.muli %add3A_120, %mul3A_200 : i32
        %add3A_202 = arith.constant 2 : i32
        %add3A_203 = arith.addi %mul3A_201, %add3A_202 : i32
        %mul3A_204 = arith.constant 16 : i32
        %mul3A_205 = arith.muli %add3A_203, %mul3A_204 : i32
        %get3A_206 = arith.index_cast %mul3A_205 : i32 to index
        %get3A_207 = tpu.vector_load %arg11[%get3A_206] {strides = array<i32>} : memref<8192xf32, #tpu.memory_space<vmem>>, vector<16xf32>,
        %mul3A_208 = arith.constant 8 : i32
        %mul3A_209 = arith.muli %add3A_120, %mul3A_208 : i32
        %add3A_210 = arith.constant 3 : i32
        %add3A_211 = arith.addi %mul3A_209, %add3A_210 : i32
        %mul3A_212 = arith.constant 16 : i32
        %mul3A_213 = arith.muli %add3A_211, %mul3A_212 : i32
        %get3A_214 = arith.index_cast %mul3A_213 : i32 to index
        %get3A_215 = tpu.vector_load %arg11[%get3A_214] {strides = array<i32>} : memref<8192xf32, #tpu.memory_space<vmem>>, vector<16xf32>,
        %mul3A_216 = arith.constant 8 : i32
        %mul3A_217 = arith.muli %add3A_120, %mul3A_216 : i32
        %add3A_218 = arith.constant 4 : i32
        %add3A_219 = arith.addi %mul3A_217, %add3A_218 : i32
        %mul3A_220 = arith.constant 16 : i32
        %mul3A_221 = arith.muli %add3A_219, %mul3A_220 : i32
        %get3A_222 = arith.index_cast %mul3A_221 : i32 to index
        %get3A_223 = tpu.vector_load %arg11[%get3A_222] {strides = array<i32>} : memref<8192xf32, #tpu.memory_space<vmem>>, vector<16xf32>,
        %mul3A_224 = arith.constant 8 : i32
        %mul3A_225 = arith.muli %add3A_120, %mul3A_224 : i32
        %add3A_226 = arith.constant 5 : i32
        %add3A_227 = arith.addi %mul3A_225, %add3A_226 : i32
        %mul3A_228 = arith.constant 16 : i32
        %mul3A_229 = arith.muli %add3A_227, %mul3A_228 : i32
        %get3A_230 = arith.index_cast %mul3A_229 : i32 to index
        %get3A_231 = tpu.vector_load %arg11[%get3A_230] {strides = array<i32>} : memref<8192xf32, #tpu.memory_space<vmem>>, vector<16xf32>,
        %mul3A_232 = arith.constant 8 : i32
        %mul3A_233 = arith.muli %add3A_120, %mul3A_232 : i32
        %add3A_234 = arith.constant 6 : i32
        %add3A_235 = arith.addi %mul3A_233, %add3A_234 : i32
        %mul3A_236 = arith.constant 16 : i32
        %mul3A_237 = arith.muli %add3A_235, %mul3A_236 : i32
        %get3A_238 = arith.index_cast %mul3A_237 : i32 to index
        %get3A_239 = tpu.vector_load %arg11[%get3A_238] {strides = array<i32>} : memref<8192xf32, #tpu.memory_space<vmem>>, vector<16xf32>,
        %mul3A_240 = arith.constant 8 : i32
        %mul3A_241 = arith.muli %add3A_120, %mul3A_240 : i32
        %add3A_242 = arith.constant 7 : i32
        %add3A_243 = arith.addi %mul3A_241, %add3A_242 : i32
        %mul3A_244 = arith.constant 16 : i32
        %mul3A_245 = arith.muli %add3A_243, %mul3A_244 : i32
        %get3A_246 = arith.index_cast %mul3A_245 : i32 to index
        %get3A_247 = tpu.vector_load %arg11[%get3A_246] {strides = array<i32>} : memref<8192xf32, #tpu.memory_space<vmem>>, vector<16xf32>,
        %shift_right_arithmetic3A = arith.constant 16 : i32
        %shift_right_arithmetic3A_248 = vector.broadcast %shift_right_arithmetic3A : i32 to vector<16xi32>
        %shift_right_arithmetic3A_249 = arith.shrsi %get3A_127, %shift_right_arithmetic3A_248 : vector<16xi32>
        %eq3A = vector.broadcast %add3A : i32 to vector<16xi32>
        %eq3A_250 = arith.cmpi eq, %shift_right_arithmetic3A_249, %eq3A : vector<16xi32>
        %and3A = arith.constant 65535 : i32
        %and3A_251 = vector.broadcast %and3A : i32 to vector<16xi32>
        %and3A_252 = arith.andi %get3A_127, %and3A_251 : vector<16xi32>
        tpu.vector_store_idx %arg7[%and3A_252], %get3A_191 masked %eq3A_250 : memref<65536xf32, #tpu.memory_space<vmem>>[vector<16xi32>], vector<16xf32>, vector<16xi1>
        %shift_right_arithmetic3A_253 = arith.constant 16 : i32
        %shift_right_arithmetic3A_254 = vector.broadcast %shift_right_arithmetic3A_253 : i32 to vector<16xi32>
        %shift_right_arithmetic3A_255 = arith.shrsi %get3A_135, %shift_right_arithmetic3A_254 : vector<16xi32>
        %eq3A_256 = vector.broadcast %add3A : i32 to vector<16xi32>
        %eq3A_257 = arith.cmpi eq, %shift_right_arithmetic3A_255, %eq3A_256 : vector<16xi32>
        %and3A_258 = arith.constant 65535 : i32
        %and3A_259 = vector.broadcast %and3A_258 : i32 to vector<16xi32>
        %and3A_260 = arith.andi %get3A_135, %and3A_259 : vector<16xi32>
        tpu.vector_store_idx %arg7[%and3A_260], %get3A_199 masked %eq3A_257 : memref<65536xf32, #tpu.memory_space<vmem>>[vector<16xi32>], vector<16xf32>, vector<16xi1>
        %shift_right_arithmetic3A_261 = arith.constant 16 : i32
        %shift_right_arithmetic3A_262 = vector.broadcast %shift_right_arithmetic3A_261 : i32 to vector<16xi32>
        %shift_right_arithmetic3A_263 = arith.shrsi %get3A_143, %shift_right_arithmetic3A_262 : vector<16xi32>
        %eq3A_264 = vector.broadcast %add3A : i32 to vector<16xi32>
        %eq3A_265 = arith.cmpi eq, %shift_right_arithmetic3A_263, %eq3A_264 : vector<16xi32>
        %and3A_266 = arith.constant 65535 : i32
        %and3A_267 = vector.broadcast %and3A_266 : i32 to vector<16xi32>
        %and3A_268 = arith.andi %get3A_143, %and3A_267 : vector<16xi32>
        tpu.vector_store_idx %arg7[%and3A_268], %get3A_207 masked %eq3A_265 : memref<65536xf32, #tpu.memory_space<vmem>>[vector<16xi32>], vector<16xf32>, vector<16xi1>
        %shift_right_arithmetic3A_269 = arith.constant 16 : i32
        %shift_right_arithmetic3A_270 = vector.broadcast %shift_right_arithmetic3A_269 : i32 to vector<16xi32>
        %shift_right_arithmetic3A_271 = arith.shrsi %get3A_151, %shift_right_arithmetic3A_270 : vector<16xi32>
        %eq3A_272 = vector.broadcast %add3A : i32 to vector<16xi32>
        %eq3A_273 = arith.cmpi eq, %shift_right_arithmetic3A_271, %eq3A_272 : vector<16xi32>
        %and3A_274 = arith.constant 65535 : i32
        %and3A_275 = vector.broadcast %and3A_274 : i32 to vector<16xi32>
        %and3A_276 = arith.andi %get3A_151, %and3A_275 : vector<16xi32>
        tpu.vector_store_idx %arg7[%and3A_276], %get3A_215 masked %eq3A_273 : memref<65536xf32, #tpu.memory_space<vmem>>[vector<16xi32>], vector<16xf32>, vector<16xi1>
        %shift_right_arithmetic3A_277 = arith.constant 16 : i32
        %shift_right_arithmetic3A_278 = vector.broadcast %shift_right_arithmetic3A_277 : i32 to vector<16xi32>
        %shift_right_arithmetic3A_279 = arith.shrsi %get3A_159, %shift_right_arithmetic3A_278 : vector<16xi32>
        %eq3A_280 = vector.broadcast %add3A : i32 to vector<16xi32>
        %eq3A_281 = arith.cmpi eq, %shift_right_arithmetic3A_279, %eq3A_280 : vector<16xi32>
        %and3A_282 = arith.constant 65535 : i32
        %and3A_283 = vector.broadcast %and3A_282 : i32 to vector<16xi32>
        %and3A_284 = arith.andi %get3A_159, %and3A_283 : vector<16xi32>
        tpu.vector_store_idx %arg7[%and3A_284], %get3A_223 masked %eq3A_281 : memref<65536xf32, #tpu.memory_space<vmem>>[vector<16xi32>], vector<16xf32>, vector<16xi1>
        %shift_right_arithmetic3A_285 = arith.constant 16 : i32
        %shift_right_arithmetic3A_286 = vector.broadcast %shift_right_arithmetic3A_285 : i32 to vector<16xi32>
        %shift_right_arithmetic3A_287 = arith.shrsi %get3A_167, %shift_right_arithmetic3A_286 : vector<16xi32>
        %eq3A_288 = vector.broadcast %add3A : i32 to vector<16xi32>
        %eq3A_289 = arith.cmpi eq, %shift_right_arithmetic3A_287, %eq3A_288 : vector<16xi32>
        %and3A_290 = arith.constant 65535 : i32
        %and3A_291 = vector.broadcast %and3A_290 : i32 to vector<16xi32>
        %and3A_292 = arith.andi %get3A_167, %and3A_291 : vector<16xi32>
        tpu.vector_store_idx %arg7[%and3A_292], %get3A_231 masked %eq3A_289 : memref<65536xf32, #tpu.memory_space<vmem>>[vector<16xi32>], vector<16xf32>, vector<16xi1>
        %shift_right_arithmetic3A_293 = arith.constant 16 : i32
        %shift_right_arithmetic3A_294 = vector.broadcast %shift_right_arithmetic3A_293 : i32 to vector<16xi32>
        %shift_right_arithmetic3A_295 = arith.shrsi %get3A_175, %shift_right_arithmetic3A_294 : vector<16xi32>
        %eq3A_296 = vector.broadcast %add3A : i32 to vector<16xi32>
        %eq3A_297 = arith.cmpi eq, %shift_right_arithmetic3A_295, %eq3A_296 : vector<16xi32>
        %and3A_298 = arith.constant 65535 : i32
        %and3A_299 = vector.broadcast %and3A_298 : i32 to vector<16xi32>
        %and3A_300 = arith.andi %get3A_175, %and3A_299 : vector<16xi32>
        tpu.vector_store_idx %arg7[%and3A_300], %get3A_239 masked %eq3A_297 : memref<65536xf32, #tpu.memory_space<vmem>>[vector<16xi32>], vector<16xf32>, vector<16xi1>
        %shift_right_arithmetic3A_301 = arith.constant 16 : i32
        %shift_right_arithmetic3A_302 = vector.broadcast %shift_right_arithmetic3A_301 : i32 to vector<16xi32>
        %shift_right_arithmetic3A_303 = arith.shrsi %get3A_183, %shift_right_arithmetic3A_302 : vector<16xi32>
        %eq3A_304 = vector.broadcast %add3A : i32 to vector<16xi32>
        %eq3A_305 = arith.cmpi eq, %shift_right_arithmetic3A_303, %eq3A_304 : vector<16xi32>
        %and3A_306 = arith.constant 65535 : i32
        %and3A_307 = vector.broadcast %and3A_306 : i32 to vector<16xi32>
        %and3A_308 = arith.andi %get3A_183, %and3A_307 : vector<16xi32>
        tpu.vector_store_idx %arg7[%and3A_308], %get3A_247 masked %eq3A_305 : memref<65536xf32, #tpu.memory_space<vmem>>[vector<16xi32>], vector<16xf32>, vector<16xi1>
      }
      %scan3A_115 = arith.constant 64 : i32
    }
    %scan3A_24 = arith.constant 128 : i32
    %scan3A_25 = arith.constant 0 : i32
    %scan3A_26 = arith.constant 16 : i32
    %scan3A_27 = arith.addi %scan3A_25, %scan3A_26 : i32
    %scan3A_28 = arith.constant 1 : i32
    %scan3A_29:2 = scf.for %scan3A_61 = %scan3A_25 to %scan3A_27 step %scan3A_28 iter_args(%scan3A_62 = %broadcast_in_dim3A_3, %scan3A_63 = %broadcast_in_dim3A_3) -> (vector<16xf32>, vector<16xf32>)  : i32 {
      %mul3A_64 = arith.constant 1 : i32
      %mul3A_65 = arith.muli %scan3A_61, %mul3A_64 : i32
      %add3A_66 = arith.constant 0 : i32
      %add3A_67 = arith.addi %add3A_66, %mul3A_65 : i32
      %mul3A_68 = arith.constant 4096 : i32
      %mul3A_69 = arith.muli %add3A_67, %mul3A_68 : i32
      %add3A_70 = arith.addi %mul3A_2, %mul3A_69 : i32
      %run_scoped3A = arith.constant 0 : i32
      "tpu.region"() ({
        %run_scoped3A_81 = tpu.sem_alloc : memref<!tpu.dma_semaphore, #tpu.memory_space<semaphore_mem>>
        %dma_start3A_82 = tpu.memref_slice %arg4[%run_scoped3A, %add3A_70] : memref<2x2097152xf32, #tpu.memory_space<hbm>> -> memref<1x4096xf32, #tpu.memory_space<hbm>>
        %dma_start3A_83 = tpu.memref_squeeze %dma_start3A_82 : memref<1x4096xf32, #tpu.memory_space<hbm>> -> memref<4096xf32, #tpu.memory_space<hbm>>
        %dma_start3A_84 = tpu.memref_slice %arg4[%run_scoped3A, %add3A_70] : memref<2x2097152xf32, #tpu.memory_space<hbm>> -> memref<1x4096xf32, #tpu.memory_space<hbm>>
        %dma_start3A_85 = tpu.memref_squeeze %dma_start3A_84 : memref<1x4096xf32, #tpu.memory_space<hbm>> -> memref<4096xf32, #tpu.memory_space<hbm>>
        tpu.enqueue_dma source(%dma_start3A_85 : memref<4096xf32, #tpu.memory_space<hbm>>) target(%arg12 : memref<4096xf32, #tpu.memory_space<vmem>>) target_semaphore(%run_scoped3A_81 : memref<!tpu.dma_semaphore, #tpu.memory_space<semaphore_mem>>)
        %dma_wait3A = tpu.memref_slice %arg4[%run_scoped3A, %add3A_70] : memref<2x2097152xf32, #tpu.memory_space<hbm>> -> memref<1x4096xf32, #tpu.memory_space<hbm>>
        %dma_wait3A_86 = tpu.memref_squeeze %dma_wait3A : memref<1x4096xf32, #tpu.memory_space<hbm>> -> memref<4096xf32, #tpu.memory_space<hbm>>
        %dma_wait3A_87 = tpu.memref_slice %arg4[%run_scoped3A, %add3A_70] : memref<2x2097152xf32, #tpu.memory_space<hbm>> -> memref<1x4096xf32, #tpu.memory_space<hbm>>
        %dma_wait3A_88 = tpu.memref_squeeze %dma_wait3A_87 : memref<1x4096xf32, #tpu.memory_space<hbm>> -> memref<4096xf32, #tpu.memory_space<hbm>>
        tpu.wait_dma2 semaphore(%run_scoped3A_81 : memref<!tpu.dma_semaphore, #tpu.memory_space<semaphore_mem>>) src(%dma_wait3A_88 : memref<4096xf32, #tpu.memory_space<hbm>>) dst(%arg12 : memref<4096xf32, #tpu.memory_space<vmem>>)
        tpu.yield
      }) : () -> ()
      %scan3A_71 = arith.constant 0 : i32
      %scan3A_72 = arith.constant 256 : i32
      %scan3A_73 = arith.addi %scan3A_71, %scan3A_72 : i32
      %scan3A_74 = arith.constant 4 : i32
      %scan3A_75:2 = scf.for %scan3A_81 = %scan3A_71 to %scan3A_73 step %scan3A_74 iter_args(%scan3A_82 = %scan3A_62, %scan3A_83 = %scan3A_63) -> (vector<16xf32>, vector<16xf32>)  : i32 {
        %mul3A_84 = arith.constant 1 : i32
        %mul3A_85 = arith.muli %scan3A_81, %mul3A_84 : i32
        %add3A_86 = arith.constant 0 : i32
        %add3A_87 = arith.addi %add3A_86, %mul3A_85 : i32
        %mul3A_88 = arith.constant 16 : i32
        %mul3A_89 = arith.muli %add3A_87, %mul3A_88 : i32
        %get3A = arith.index_cast %mul3A_89 : i32 to index
        %get3A_90 = tpu.vector_load %arg12[%get3A] {strides = array<i32>} : memref<4096xf32, #tpu.memory_space<vmem>>, vector<16xf32>,
        %mul3A_91 = arith.constant 4096 : i32
        %mul3A_92 = arith.muli %add3A_67, %mul3A_91 : i32
        %mul3A_93 = arith.constant 16 : i32
        %mul3A_94 = arith.muli %add3A_87, %mul3A_93 : i32
        %add3A_95 = arith.addi %mul3A_92, %mul3A_94 : i32
        %get3A_96 = arith.index_cast %add3A_95 : i32 to index
        %get3A_97 = tpu.vector_load %arg7[%get3A_96] {strides = array<i32>} : memref<65536xf32, #tpu.memory_space<vmem>>, vector<16xf32>,
        %ge3A = arith.constant 0.000000e+00 : f32
        %ge3A_98 = vector.broadcast %ge3A : f32 to vector<16xf32>
        %ge3A_99 = arith.cmpf oge, %get3A_90, %ge3A_98 : vector<16xf32>
        %mul3A_100 = arith.constant 0.949999988 : f32
        %mul3A_101 = vector.broadcast %mul3A_100 : f32 to vector<16xf32>
        %mul3A_102 = arith.mulf %get3A_90, %mul3A_101 : vector<16xf32>
        %max3A = arith.maximumf %mul3A_102, %get3A_97 : vector<16xf32>
        %select_n3A = arith.select %ge3A_99, %max3A, %get3A_90 : vector<16xi1>, vector<16xf32>
        %mul3A_103 = arith.constant 16 : i32
        %mul3A_104 = arith.muli %add3A_87, %mul3A_103 : i32
        %swap3A_105 = arith.index_cast %mul3A_104 : i32 to index
        %swap3A_106 = tpu.vector_load %arg13[%swap3A_105] {strides = array<i32>} : memref<4096xf32, #tpu.memory_space<vmem>>, vector<16xf32>,
        tpu.vector_store %arg13[%swap3A_105], %select_n3A {strides = array<i32>} : memref<4096xf32, #tpu.memory_space<vmem>>, vector<16xf32>,
        %select_n3A_107 = arith.select %ge3A_99, %select_n3A, %broadcast_in_dim3A_3 : vector<16xi1>, vector<16xf32>
        %add3A_108 = arith.addf %scan3A_82, %select_n3A_107 : vector<16xf32>
        %jit3A = arith.constant 1.000000e+00 : f32
        %broadcast_in_dim3A_109 = vector.broadcast %jit3A : f32 to vector<16xf32>
        %select_n3A_110 = arith.select %ge3A_99, %broadcast_in_dim3A_109, %broadcast_in_dim3A_3 : vector<16xi1>, vector<16xf32>
        %add3A_111 = arith.addf %scan3A_83, %select_n3A_110 : vector<16xf32>
        %scan3A_112 = arith.constant 1 : i32
        %scan3A_113 = arith.addi %scan3A_81, %scan3A_112 : i32
        %mul3A_114 = arith.constant 1 : i32
        %mul3A_115 = arith.muli %scan3A_113, %mul3A_114 : i32
        %add3A_116 = arith.constant 0 : i32
        %add3A_117 = arith.addi %add3A_116, %mul3A_115 : i32
        %mul3A_118 = arith.constant 16 : i32
        %mul3A_119 = arith.muli %add3A_117, %mul3A_118 : i32
        %get3A_120 = arith.index_cast %mul3A_119 : i32 to index
        %get3A_121 = tpu.vector_load %arg12[%get3A_120] {strides = array<i32>} : memref<4096xf32, #tpu.memory_space<vmem>>, vector<16xf32>,
        %mul3A_122 = arith.constant 4096 : i32
        %mul3A_123 = arith.muli %add3A_67, %mul3A_122 : i32
        %mul3A_124 = arith.constant 16 : i32
        %mul3A_125 = arith.muli %add3A_117, %mul3A_124 : i32
        %add3A_126 = arith.addi %mul3A_123, %mul3A_125 : i32
        %get3A_127 = arith.index_cast %add3A_126 : i32 to index
        %get3A_128 = tpu.vector_load %arg7[%get3A_127] {strides = array<i32>} : memref<65536xf32, #tpu.memory_space<vmem>>, vector<16xf32>,
        %ge3A_129 = arith.constant 0.000000e+00 : f32
        %ge3A_130 = vector.broadcast %ge3A_129 : f32 to vector<16xf32>
        %ge3A_131 = arith.cmpf oge, %get3A_121, %ge3A_130 : vector<16xf32>
        %mul3A_132 = arith.constant 0.949999988 : f32
        %mul3A_133 = vector.broadcast %mul3A_132 : f32 to vector<16xf32>
        %mul3A_134 = arith.mulf %get3A_121, %mul3A_133 : vector<16xf32>
        %max3A_135 = arith.maximumf %mul3A_134, %get3A_128 : vector<16xf32>
        %select_n3A_136 = arith.select %ge3A_131, %max3A_135, %get3A_121 : vector<16xi1>, vector<16xf32>
        %mul3A_137 = arith.constant 16 : i32
        %mul3A_138 = arith.muli %add3A_117, %mul3A_137 : i32
        %swap3A_139 = arith.index_cast %mul3A_138 : i32 to index
        %swap3A_140 = tpu.vector_load %arg13[%swap3A_139] {strides = array<i32>} : memref<4096xf32, #tpu.memory_space<vmem>>, vector<16xf32>,
        tpu.vector_store %arg13[%swap3A_139], %select_n3A_136 {strides = array<i32>} : memref<4096xf32, #tpu.memory_space<vmem>>, vector<16xf32>,
        %select_n3A_141 = arith.select %ge3A_131, %select_n3A_136, %broadcast_in_dim3A_3 : vector<16xi1>, vector<16xf32>
        %add3A_142 = arith.addf %add3A_108, %select_n3A_141 : vector<16xf32>
        %jit3A_143 = arith.constant 1.000000e+00 : f32
        %broadcast_in_dim3A_144 = vector.broadcast %jit3A_143 : f32 to vector<16xf32>
        %select_n3A_145 = arith.select %ge3A_131, %broadcast_in_dim3A_144, %broadcast_in_dim3A_3 : vector<16xi1>, vector<16xf32>
        %add3A_146 = arith.addf %add3A_111, %select_n3A_145 : vector<16xf32>
        %scan3A_147 = arith.constant 2 : i32
        %scan3A_148 = arith.addi %scan3A_81, %scan3A_147 : i32
        %mul3A_149 = arith.constant 1 : i32
        %mul3A_150 = arith.muli %scan3A_148, %mul3A_149 : i32
        %add3A_151 = arith.constant 0 : i32
        %add3A_152 = arith.addi %add3A_151, %mul3A_150 : i32
        %mul3A_153 = arith.constant 16 : i32
        %mul3A_154 = arith.muli %add3A_152, %mul3A_153 : i32
        %get3A_155 = arith.index_cast %mul3A_154 : i32 to index
        %get3A_156 = tpu.vector_load %arg12[%get3A_155] {strides = array<i32>} : memref<4096xf32, #tpu.memory_space<vmem>>, vector<16xf32>,
        %mul3A_157 = arith.constant 4096 : i32
        %mul3A_158 = arith.muli %add3A_67, %mul3A_157 : i32
        %mul3A_159 = arith.constant 16 : i32
        %mul3A_160 = arith.muli %add3A_152, %mul3A_159 : i32
        %add3A_161 = arith.addi %mul3A_158, %mul3A_160 : i32
        %get3A_162 = arith.index_cast %add3A_161 : i32 to index
        %get3A_163 = tpu.vector_load %arg7[%get3A_162] {strides = array<i32>} : memref<65536xf32, #tpu.memory_space<vmem>>, vector<16xf32>,
        %ge3A_164 = arith.constant 0.000000e+00 : f32
        %ge3A_165 = vector.broadcast %ge3A_164 : f32 to vector<16xf32>
        %ge3A_166 = arith.cmpf oge, %get3A_156, %ge3A_165 : vector<16xf32>
        %mul3A_167 = arith.constant 0.949999988 : f32
        %mul3A_168 = vector.broadcast %mul3A_167 : f32 to vector<16xf32>
        %mul3A_169 = arith.mulf %get3A_156, %mul3A_168 : vector<16xf32>
        %max3A_170 = arith.maximumf %mul3A_169, %get3A_163 : vector<16xf32>
        %select_n3A_171 = arith.select %ge3A_166, %max3A_170, %get3A_156 : vector<16xi1>, vector<16xf32>
        %mul3A_172 = arith.constant 16 : i32
        %mul3A_173 = arith.muli %add3A_152, %mul3A_172 : i32
        %swap3A_174 = arith.index_cast %mul3A_173 : i32 to index
        %swap3A_175 = tpu.vector_load %arg13[%swap3A_174] {strides = array<i32>} : memref<4096xf32, #tpu.memory_space<vmem>>, vector<16xf32>,
        tpu.vector_store %arg13[%swap3A_174], %select_n3A_171 {strides = array<i32>} : memref<4096xf32, #tpu.memory_space<vmem>>, vector<16xf32>,
        %select_n3A_176 = arith.select %ge3A_166, %select_n3A_171, %broadcast_in_dim3A_3 : vector<16xi1>, vector<16xf32>
        %add3A_177 = arith.addf %add3A_142, %select_n3A_176 : vector<16xf32>
        %jit3A_178 = arith.constant 1.000000e+00 : f32
        %broadcast_in_dim3A_179 = vector.broadcast %jit3A_178 : f32 to vector<16xf32>
        %select_n3A_180 = arith.select %ge3A_166, %broadcast_in_dim3A_179, %broadcast_in_dim3A_3 : vector<16xi1>, vector<16xf32>
        %add3A_181 = arith.addf %add3A_146, %select_n3A_180 : vector<16xf32>
        %scan3A_182 = arith.constant 3 : i32
        %scan3A_183 = arith.addi %scan3A_81, %scan3A_182 : i32
        %mul3A_184 = arith.constant 1 : i32
        %mul3A_185 = arith.muli %scan3A_183, %mul3A_184 : i32
        %add3A_186 = arith.constant 0 : i32
        %add3A_187 = arith.addi %add3A_186, %mul3A_185 : i32
        %mul3A_188 = arith.constant 16 : i32
        %mul3A_189 = arith.muli %add3A_187, %mul3A_188 : i32
        %get3A_190 = arith.index_cast %mul3A_189 : i32 to index
        %get3A_191 = tpu.vector_load %arg12[%get3A_190] {strides = array<i32>} : memref<4096xf32, #tpu.memory_space<vmem>>, vector<16xf32>,
        %mul3A_192 = arith.constant 4096 : i32
        %mul3A_193 = arith.muli %add3A_67, %mul3A_192 : i32
        %mul3A_194 = arith.constant 16 : i32
        %mul3A_195 = arith.muli %add3A_187, %mul3A_194 : i32
        %add3A_196 = arith.addi %mul3A_193, %mul3A_195 : i32
        %get3A_197 = arith.index_cast %add3A_196 : i32 to index
        %get3A_198 = tpu.vector_load %arg7[%get3A_197] {strides = array<i32>} : memref<65536xf32, #tpu.memory_space<vmem>>, vector<16xf32>,
        %ge3A_199 = arith.constant 0.000000e+00 : f32
        %ge3A_200 = vector.broadcast %ge3A_199 : f32 to vector<16xf32>
        %ge3A_201 = arith.cmpf oge, %get3A_191, %ge3A_200 : vector<16xf32>
        %mul3A_202 = arith.constant 0.949999988 : f32
        %mul3A_203 = vector.broadcast %mul3A_202 : f32 to vector<16xf32>
        %mul3A_204 = arith.mulf %get3A_191, %mul3A_203 : vector<16xf32>
        %max3A_205 = arith.maximumf %mul3A_204, %get3A_198 : vector<16xf32>
        %select_n3A_206 = arith.select %ge3A_201, %max3A_205, %get3A_191 : vector<16xi1>, vector<16xf32>
        %mul3A_207 = arith.constant 16 : i32
        %mul3A_208 = arith.muli %add3A_187, %mul3A_207 : i32
        %swap3A_209 = arith.index_cast %mul3A_208 : i32 to index
        %swap3A_210 = tpu.vector_load %arg13[%swap3A_209] {strides = array<i32>} : memref<4096xf32, #tpu.memory_space<vmem>>, vector<16xf32>,
        tpu.vector_store %arg13[%swap3A_209], %select_n3A_206 {strides = array<i32>} : memref<4096xf32, #tpu.memory_space<vmem>>, vector<16xf32>,
        %select_n3A_211 = arith.select %ge3A_201, %select_n3A_206, %broadcast_in_dim3A_3 : vector<16xi1>, vector<16xf32>
        %add3A_212 = arith.addf %add3A_177, %select_n3A_211 : vector<16xf32>
        %jit3A_213 = arith.constant 1.000000e+00 : f32
        %broadcast_in_dim3A_214 = vector.broadcast %jit3A_213 : f32 to vector<16xf32>
        %select_n3A_215 = arith.select %ge3A_201, %broadcast_in_dim3A_214, %broadcast_in_dim3A_3 : vector<16xi1>, vector<16xf32>
        %add3A_216 = arith.addf %add3A_181, %select_n3A_215 : vector<16xf32>
        scf.yield %add3A_212, %add3A_216 : vector<16xf32>, vector<16xf32>
      }
      %scan3A_76 = arith.constant 256 : i32
      %mul3A_77 = arith.constant 4096 : i32
      %mul3A_78 = arith.muli %add3A_67, %mul3A_77 : i32
      %add3A_79 = arith.addi %mul3A_2, %mul3A_78 : i32
      %run_scoped3A_80 = arith.constant 0 : i32
      "tpu.region"() ({
        %run_scoped3A_81 = tpu.sem_alloc : memref<!tpu.dma_semaphore, #tpu.memory_space<semaphore_mem>>
        %dma_start3A_82 = tpu.memref_slice %arg5[%run_scoped3A_80, %add3A_79] : memref<2x2097152xf32, #tpu.memory_space<hbm>> -> memref<1x4096xf32, #tpu.memory_space<hbm>>
        %dma_start3A_83 = tpu.memref_squeeze %dma_start3A_82 : memref<1x4096xf32, #tpu.memory_space<hbm>> -> memref<4096xf32, #tpu.memory_space<hbm>>
        %dma_start3A_84 = tpu.memref_slice %arg5[%run_scoped3A_80, %add3A_79] : memref<2x2097152xf32, #tpu.memory_space<hbm>> -> memref<1x4096xf32, #tpu.memory_space<hbm>>
        %dma_start3A_85 = tpu.memref_squeeze %dma_start3A_84 : memref<1x4096xf32, #tpu.memory_space<hbm>> -> memref<4096xf32, #tpu.memory_space<hbm>>
        tpu.enqueue_dma source(%arg13 : memref<4096xf32, #tpu.memory_space<vmem>>) target(%dma_start3A_85 : memref<4096xf32, #tpu.memory_space<hbm>>) target_semaphore(%run_scoped3A_81 : memref<!tpu.dma_semaphore, #tpu.memory_space<semaphore_mem>>)
        %dma_wait3A = tpu.memref_slice %arg5[%run_scoped3A_80, %add3A_79] : memref<2x2097152xf32, #tpu.memory_space<hbm>> -> memref<1x4096xf32, #tpu.memory_space<hbm>>
        %dma_wait3A_86 = tpu.memref_squeeze %dma_wait3A : memref<1x4096xf32, #tpu.memory_space<hbm>> -> memref<4096xf32, #tpu.memory_space<hbm>>
        %dma_wait3A_87 = tpu.memref_slice %arg5[%run_scoped3A_80, %add3A_79] : memref<2x2097152xf32, #tpu.memory_space<hbm>> -> memref<1x4096xf32, #tpu.memory_space<hbm>>
        %dma_wait3A_88 = tpu.memref_squeeze %dma_wait3A_87 : memref<1x4096xf32, #tpu.memory_space<hbm>> -> memref<4096xf32, #tpu.memory_space<hbm>>
        tpu.wait_dma2 semaphore(%run_scoped3A_81 : memref<!tpu.dma_semaphore, #tpu.memory_space<semaphore_mem>>) src(%arg13 : memref<4096xf32, #tpu.memory_space<vmem>>) dst(%dma_wait3A_88 : memref<4096xf32, #tpu.memory_space<hbm>>)
        tpu.yield
      }) : () -> ()
      scf.yield %scan3A_75#0, %scan3A_75#1 : vector<16xf32>, vector<16xf32>
    }
    %scan3A_30 = arith.constant 16 : i32
    %scan3A_31 = arith.constant 0 : i32
    %scan3A_32 = arith.constant 4096 : i32
    %scan3A_33 = arith.addi %scan3A_31, %scan3A_32 : i32
    %scan3A_34 = arith.constant 1 : i32
    scf.for %scan3A_61 = %scan3A_31 to %scan3A_33 step %scan3A_34  : i32 {
      %mul3A_62 = arith.constant 1 : i32
      %mul3A_63 = arith.muli %scan3A_61, %mul3A_62 : i32
      %add3A_64 = arith.constant 0 : i32
      %add3A_65 = arith.addi %add3A_64, %mul3A_63 : i32
      %mul3A_66 = arith.constant 16 : i32
      %mul3A_67 = arith.muli %add3A_65, %mul3A_66 : i32
      %swap3A_68 = arith.index_cast %mul3A_67 : i32 to index
      %swap3A_69 = tpu.vector_load %arg7[%swap3A_68] {strides = array<i32>} : memref<65536xf32, #tpu.memory_space<vmem>>, vector<16xf32>,
      tpu.vector_store %arg7[%swap3A_68], %broadcast_in_dim3A_5 {strides = array<i32>} : memref<65536xf32, #tpu.memory_space<vmem>>, vector<16xf32>,
    }
    %scan3A_35 = arith.constant 4096 : i32
    %dma_start3A_36 = arith.constant 0 : i32
    %dma_start3A_37 = tpu.memref_slice %arg2[%dma_start3A_36] : memref<2097152xi32, #tpu.memory_space<hbm>> -> memref<8192xi32, #tpu.memory_space<hbm>>
    %dma_start3A_38 = arith.constant 0 : i32
    %dma_start3A_39 = tpu.memref_slice %arg2[%dma_start3A_38] : memref<2097152xi32, #tpu.memory_space<hbm>> -> memref<8192xi32, #tpu.memory_space<hbm>>
    tpu.enqueue_dma source(%dma_start3A_39 : memref<8192xi32, #tpu.memory_space<hbm>>) target(%arg8 : memref<8192xi32, #tpu.memory_space<vmem>>) target_semaphore(%arg15 : memref<!tpu.dma_semaphore, #tpu.memory_space<semaphore_mem>>)
    %dma_start3A_40 = arith.constant 1 : i32
    %dma_start3A_41 = arith.constant 0 : i32
    %dma_start3A_42 = tpu.memref_slice %arg3[%dma_start3A_40, %dma_start3A_41] : memref<2x2097152xf32, #tpu.memory_space<hbm>> -> memref<1x8192xf32, #tpu.memory_space<hbm>>
    %dma_start3A_43 = tpu.memref_squeeze %dma_start3A_42 : memref<1x8192xf32, #tpu.memory_space<hbm>> -> memref<8192xf32, #tpu.memory_space<hbm>>
    %dma_start3A_44 = arith.constant 0 : i32
    %dma_start3A_45 = tpu.memref_slice %arg3[%dma_start3A_40, %dma_start3A_44] : memref<2x2097152xf32, #tpu.memory_space<hbm>> -> memref<1x8192xf32, #tpu.memory_space<hbm>>
    %dma_start3A_46 = tpu.memref_squeeze %dma_start3A_45 : memref<1x8192xf32, #tpu.memory_space<hbm>> -> memref<8192xf32, #tpu.memory_space<hbm>>
    tpu.enqueue_dma source(%dma_start3A_46 : memref<8192xf32, #tpu.memory_space<hbm>>) target(%arg10 : memref<8192xf32, #tpu.memory_space<vmem>>) target_semaphore(%arg15 : memref<!tpu.dma_semaphore, #tpu.memory_space<semaphore_mem>>)
    %scan3A_47 = arith.constant 0 : i32
    %scan3A_48 = arith.constant 128 : i32
    %scan3A_49 = arith.addi %scan3A_47, %scan3A_48 : i32
    %scan3A_50 = arith.constant 1 : i32
    scf.for %scan3A_61 = %scan3A_47 to %scan3A_49 step %scan3A_50  : i32 {
      %mul3A_62 = arith.constant 1 : i32
      %mul3A_63 = arith.muli %scan3A_61, %mul3A_62 : i32
      %add3A_64 = arith.constant 0 : i32
      %add3A_65 = arith.addi %add3A_64, %mul3A_63 : i32
      %mul3A_66 = arith.constant 2 : i32
      %mul3A_67 = arith.muli %add3A_65, %mul3A_66 : i32
      %add3A_68 = arith.constant 0 : i32
      %add3A_69 = arith.addi %mul3A_67, %add3A_68 : i32
      %add3A_70 = arith.constant 1 : i32
      %add3A_71 = arith.addi %add3A_69, %add3A_70 : i32
      %lt3A = arith.constant 256 : i32
      %lt3A_72 = arith.cmpi slt, %add3A_71, %lt3A : i32
      %convert_element_type3A = arith.extui %lt3A_72 : i1 to i32
      %cond3A = arith.constant 0 : i32
      %cond3A_73 = arith.cmpi ne, %convert_element_type3A, %cond3A : i32
      scf.if %cond3A_73 {
        %add3A_116 = arith.constant 1 : i32
        %add3A_117 = arith.addi %add3A_69, %add3A_116 : i32
        %mul3A_118 = arith.constant 8192 : i32
        %mul3A_119 = arith.muli %add3A_117, %mul3A_118 : i32
        %dma_start3A_120 = tpu.memref_slice %arg2[%mul3A_119] : memref<2097152xi32, #tpu.memory_space<hbm>> -> memref<8192xi32, #tpu.memory_space<hbm>>
        %dma_start3A_121 = tpu.memref_slice %arg2[%mul3A_119] : memref<2097152xi32, #tpu.memory_space<hbm>> -> memref<8192xi32, #tpu.memory_space<hbm>>
        tpu.enqueue_dma source(%dma_start3A_121 : memref<8192xi32, #tpu.memory_space<hbm>>) target(%arg9 : memref<8192xi32, #tpu.memory_space<vmem>>) target_semaphore(%arg16 : memref<!tpu.dma_semaphore, #tpu.memory_space<semaphore_mem>>)
        %dma_start3A_122 = arith.constant 1 : i32
        %dma_start3A_123 = tpu.memref_slice %arg3[%dma_start3A_122, %mul3A_119] : memref<2x2097152xf32, #tpu.memory_space<hbm>> -> memref<1x8192xf32, #tpu.memory_space<hbm>>
        %dma_start3A_124 = tpu.memref_squeeze %dma_start3A_123 : memref<1x8192xf32, #tpu.memory_space<hbm>> -> memref<8192xf32, #tpu.memory_space<hbm>>
        %dma_start3A_125 = tpu.memref_slice %arg3[%dma_start3A_122, %mul3A_119] : memref<2x2097152xf32, #tpu.memory_space<hbm>> -> memref<1x8192xf32, #tpu.memory_space<hbm>>
        %dma_start3A_126 = tpu.memref_squeeze %dma_start3A_125 : memref<1x8192xf32, #tpu.memory_space<hbm>> -> memref<8192xf32, #tpu.memory_space<hbm>>
        tpu.enqueue_dma source(%dma_start3A_126 : memref<8192xf32, #tpu.memory_space<hbm>>) target(%arg11 : memref<8192xf32, #tpu.memory_space<vmem>>) target_semaphore(%arg16 : memref<!tpu.dma_semaphore, #tpu.memory_space<semaphore_mem>>)
      } else {
      }
      %dma_wait3A = arith.constant 0 : i32
      %dma_wait3A_74 = tpu.memref_slice %arg2[%dma_wait3A] : memref<2097152xi32, #tpu.memory_space<hbm>> -> memref<8192xi32, #tpu.memory_space<hbm>>
      %dma_wait3A_75 = arith.constant 0 : i32
      %dma_wait3A_76 = tpu.memref_slice %arg2[%dma_wait3A_75] : memref<2097152xi32, #tpu.memory_space<hbm>> -> memref<8192xi32, #tpu.memory_space<hbm>>
      tpu.wait_dma2 semaphore(%arg15 : memref<!tpu.dma_semaphore, #tpu.memory_space<semaphore_mem>>) src(%dma_wait3A_76 : memref<8192xi32, #tpu.memory_space<hbm>>) dst(%arg8 : memref<8192xi32, #tpu.memory_space<vmem>>)
      %dma_wait3A_77 = arith.constant 0 : i32
      %dma_wait3A_78 = arith.constant 0 : i32
      %dma_wait3A_79 = tpu.memref_slice %arg3[%dma_wait3A_77, %dma_wait3A_78] : memref<2x2097152xf32, #tpu.memory_space<hbm>> -> memref<1x8192xf32, #tpu.memory_space<hbm>>
      %dma_wait3A_80 = tpu.memref_squeeze %dma_wait3A_79 : memref<1x8192xf32, #tpu.memory_space<hbm>> -> memref<8192xf32, #tpu.memory_space<hbm>>
      %dma_wait3A_81 = arith.constant 0 : i32
      %dma_wait3A_82 = tpu.memref_slice %arg3[%dma_wait3A_77, %dma_wait3A_81] : memref<2x2097152xf32, #tpu.memory_space<hbm>> -> memref<1x8192xf32, #tpu.memory_space<hbm>>
      %dma_wait3A_83 = tpu.memref_squeeze %dma_wait3A_82 : memref<1x8192xf32, #tpu.memory_space<hbm>> -> memref<8192xf32, #tpu.memory_space<hbm>>
      tpu.wait_dma2 semaphore(%arg15 : memref<!tpu.dma_semaphore, #tpu.memory_space<semaphore_mem>>) src(%dma_wait3A_83 : memref<8192xf32, #tpu.memory_space<hbm>>) dst(%arg10 : memref<8192xf32, #tpu.memory_space<vmem>>)
      %scan3A_84 = arith.constant 0 : i32
      %scan3A_85 = arith.constant 64 : i32
      %scan3A_86 = arith.addi %scan3A_84, %scan3A_85 : i32
      %scan3A_87 = arith.constant 1 : i32
      scf.for %scan3A_116 = %scan3A_84 to %scan3A_86 step %scan3A_87  : i32 {
        %mul3A_117 = arith.constant 1 : i32
        %mul3A_118 = arith.muli %scan3A_116, %mul3A_117 : i32
        %add3A_119 = arith.constant 0 : i32
        %add3A_120 = arith.addi %add3A_119, %mul3A_118 : i32
        %mul3A_121 = arith.constant 8 : i32
        %mul3A_122 = arith.muli %add3A_120, %mul3A_121 : i32
        %add3A_123 = arith.constant 0 : i32
        %add3A_124 = arith.addi %mul3A_122, %add3A_123 : i32
        %mul3A_125 = arith.constant 16 : i32
        %mul3A_126 = arith.muli %add3A_124, %mul3A_125 : i32
        %get3A = arith.index_cast %mul3A_126 : i32 to index
        %get3A_127 = tpu.vector_load %arg8[%get3A] {strides = array<i32>} : memref<8192xi32, #tpu.memory_space<vmem>>, vector<16xi32>,
        %mul3A_128 = arith.constant 8 : i32
        %mul3A_129 = arith.muli %add3A_120, %mul3A_128 : i32
        %add3A_130 = arith.constant 1 : i32
        %add3A_131 = arith.addi %mul3A_129, %add3A_130 : i32
        %mul3A_132 = arith.constant 16 : i32
        %mul3A_133 = arith.muli %add3A_131, %mul3A_132 : i32
        %get3A_134 = arith.index_cast %mul3A_133 : i32 to index
        %get3A_135 = tpu.vector_load %arg8[%get3A_134] {strides = array<i32>} : memref<8192xi32, #tpu.memory_space<vmem>>, vector<16xi32>,
        %mul3A_136 = arith.constant 8 : i32
        %mul3A_137 = arith.muli %add3A_120, %mul3A_136 : i32
        %add3A_138 = arith.constant 2 : i32
        %add3A_139 = arith.addi %mul3A_137, %add3A_138 : i32
        %mul3A_140 = arith.constant 16 : i32
        %mul3A_141 = arith.muli %add3A_139, %mul3A_140 : i32
        %get3A_142 = arith.index_cast %mul3A_141 : i32 to index
        %get3A_143 = tpu.vector_load %arg8[%get3A_142] {strides = array<i32>} : memref<8192xi32, #tpu.memory_space<vmem>>, vector<16xi32>,
        %mul3A_144 = arith.constant 8 : i32
        %mul3A_145 = arith.muli %add3A_120, %mul3A_144 : i32
        %add3A_146 = arith.constant 3 : i32
        %add3A_147 = arith.addi %mul3A_145, %add3A_146 : i32
        %mul3A_148 = arith.constant 16 : i32
        %mul3A_149 = arith.muli %add3A_147, %mul3A_148 : i32
        %get3A_150 = arith.index_cast %mul3A_149 : i32 to index
        %get3A_151 = tpu.vector_load %arg8[%get3A_150] {strides = array<i32>} : memref<8192xi32, #tpu.memory_space<vmem>>, vector<16xi32>,
        %mul3A_152 = arith.constant 8 : i32
        %mul3A_153 = arith.muli %add3A_120, %mul3A_152 : i32
        %add3A_154 = arith.constant 4 : i32
        %add3A_155 = arith.addi %mul3A_153, %add3A_154 : i32
        %mul3A_156 = arith.constant 16 : i32
        %mul3A_157 = arith.muli %add3A_155, %mul3A_156 : i32
        %get3A_158 = arith.index_cast %mul3A_157 : i32 to index
        %get3A_159 = tpu.vector_load %arg8[%get3A_158] {strides = array<i32>} : memref<8192xi32, #tpu.memory_space<vmem>>, vector<16xi32>,
        %mul3A_160 = arith.constant 8 : i32
        %mul3A_161 = arith.muli %add3A_120, %mul3A_160 : i32
        %add3A_162 = arith.constant 5 : i32
        %add3A_163 = arith.addi %mul3A_161, %add3A_162 : i32
        %mul3A_164 = arith.constant 16 : i32
        %mul3A_165 = arith.muli %add3A_163, %mul3A_164 : i32
        %get3A_166 = arith.index_cast %mul3A_165 : i32 to index
        %get3A_167 = tpu.vector_load %arg8[%get3A_166] {strides = array<i32>} : memref<8192xi32, #tpu.memory_space<vmem>>, vector<16xi32>,
        %mul3A_168 = arith.constant 8 : i32
        %mul3A_169 = arith.muli %add3A_120, %mul3A_168 : i32
        %add3A_170 = arith.constant 6 : i32
        %add3A_171 = arith.addi %mul3A_169, %add3A_170 : i32
        %mul3A_172 = arith.constant 16 : i32
        %mul3A_173 = arith.muli %add3A_171, %mul3A_172 : i32
        %get3A_174 = arith.index_cast %mul3A_173 : i32 to index
        %get3A_175 = tpu.vector_load %arg8[%get3A_174] {strides = array<i32>} : memref<8192xi32, #tpu.memory_space<vmem>>, vector<16xi32>,
        %mul3A_176 = arith.constant 8 : i32
        %mul3A_177 = arith.muli %add3A_120, %mul3A_176 : i32
        %add3A_178 = arith.constant 7 : i32
        %add3A_179 = arith.addi %mul3A_177, %add3A_178 : i32
        %mul3A_180 = arith.constant 16 : i32
        %mul3A_181 = arith.muli %add3A_179, %mul3A_180 : i32
        %get3A_182 = arith.index_cast %mul3A_181 : i32 to index
        %get3A_183 = tpu.vector_load %arg8[%get3A_182] {strides = array<i32>} : memref<8192xi32, #tpu.memory_space<vmem>>, vector<16xi32>,
        %mul3A_184 = arith.constant 8 : i32
        %mul3A_185 = arith.muli %add3A_120, %mul3A_184 : i32
        %add3A_186 = arith.constant 0 : i32
        %add3A_187 = arith.addi %mul3A_185, %add3A_186 : i32
        %mul3A_188 = arith.constant 16 : i32
        %mul3A_189 = arith.muli %add3A_187, %mul3A_188 : i32
        %get3A_190 = arith.index_cast %mul3A_189 : i32 to index
        %get3A_191 = tpu.vector_load %arg10[%get3A_190] {strides = array<i32>} : memref<8192xf32, #tpu.memory_space<vmem>>, vector<16xf32>,
        %mul3A_192 = arith.constant 8 : i32
        %mul3A_193 = arith.muli %add3A_120, %mul3A_192 : i32
        %add3A_194 = arith.constant 1 : i32
        %add3A_195 = arith.addi %mul3A_193, %add3A_194 : i32
        %mul3A_196 = arith.constant 16 : i32
        %mul3A_197 = arith.muli %add3A_195, %mul3A_196 : i32
        %get3A_198 = arith.index_cast %mul3A_197 : i32 to index
        %get3A_199 = tpu.vector_load %arg10[%get3A_198] {strides = array<i32>} : memref<8192xf32, #tpu.memory_space<vmem>>, vector<16xf32>,
        %mul3A_200 = arith.constant 8 : i32
        %mul3A_201 = arith.muli %add3A_120, %mul3A_200 : i32
        %add3A_202 = arith.constant 2 : i32
        %add3A_203 = arith.addi %mul3A_201, %add3A_202 : i32
        %mul3A_204 = arith.constant 16 : i32
        %mul3A_205 = arith.muli %add3A_203, %mul3A_204 : i32
        %get3A_206 = arith.index_cast %mul3A_205 : i32 to index
        %get3A_207 = tpu.vector_load %arg10[%get3A_206] {strides = array<i32>} : memref<8192xf32, #tpu.memory_space<vmem>>, vector<16xf32>,
        %mul3A_208 = arith.constant 8 : i32
        %mul3A_209 = arith.muli %add3A_120, %mul3A_208 : i32
        %add3A_210 = arith.constant 3 : i32
        %add3A_211 = arith.addi %mul3A_209, %add3A_210 : i32
        %mul3A_212 = arith.constant 16 : i32
        %mul3A_213 = arith.muli %add3A_211, %mul3A_212 : i32
        %get3A_214 = arith.index_cast %mul3A_213 : i32 to index
        %get3A_215 = tpu.vector_load %arg10[%get3A_214] {strides = array<i32>} : memref<8192xf32, #tpu.memory_space<vmem>>, vector<16xf32>,
        %mul3A_216 = arith.constant 8 : i32
        %mul3A_217 = arith.muli %add3A_120, %mul3A_216 : i32
        %add3A_218 = arith.constant 4 : i32
        %add3A_219 = arith.addi %mul3A_217, %add3A_218 : i32
        %mul3A_220 = arith.constant 16 : i32
        %mul3A_221 = arith.muli %add3A_219, %mul3A_220 : i32
        %get3A_222 = arith.index_cast %mul3A_221 : i32 to index
        %get3A_223 = tpu.vector_load %arg10[%get3A_222] {strides = array<i32>} : memref<8192xf32, #tpu.memory_space<vmem>>, vector<16xf32>,
        %mul3A_224 = arith.constant 8 : i32
        %mul3A_225 = arith.muli %add3A_120, %mul3A_224 : i32
        %add3A_226 = arith.constant 5 : i32
        %add3A_227 = arith.addi %mul3A_225, %add3A_226 : i32
        %mul3A_228 = arith.constant 16 : i32
        %mul3A_229 = arith.muli %add3A_227, %mul3A_228 : i32
        %get3A_230 = arith.index_cast %mul3A_229 : i32 to index
        %get3A_231 = tpu.vector_load %arg10[%get3A_230] {strides = array<i32>} : memref<8192xf32, #tpu.memory_space<vmem>>, vector<16xf32>,
        %mul3A_232 = arith.constant 8 : i32
        %mul3A_233 = arith.muli %add3A_120, %mul3A_232 : i32
        %add3A_234 = arith.constant 6 : i32
        %add3A_235 = arith.addi %mul3A_233, %add3A_234 : i32
        %mul3A_236 = arith.constant 16 : i32
        %mul3A_237 = arith.muli %add3A_235, %mul3A_236 : i32
        %get3A_238 = arith.index_cast %mul3A_237 : i32 to index
        %get3A_239 = tpu.vector_load %arg10[%get3A_238] {strides = array<i32>} : memref<8192xf32, #tpu.memory_space<vmem>>, vector<16xf32>,
        %mul3A_240 = arith.constant 8 : i32
        %mul3A_241 = arith.muli %add3A_120, %mul3A_240 : i32
        %add3A_242 = arith.constant 7 : i32
        %add3A_243 = arith.addi %mul3A_241, %add3A_242 : i32
        %mul3A_244 = arith.constant 16 : i32
        %mul3A_245 = arith.muli %add3A_243, %mul3A_244 : i32
        %get3A_246 = arith.index_cast %mul3A_245 : i32 to index
        %get3A_247 = tpu.vector_load %arg10[%get3A_246] {strides = array<i32>} : memref<8192xf32, #tpu.memory_space<vmem>>, vector<16xf32>,
        %shift_right_arithmetic3A = arith.constant 16 : i32
        %shift_right_arithmetic3A_248 = vector.broadcast %shift_right_arithmetic3A : i32 to vector<16xi32>
        %shift_right_arithmetic3A_249 = arith.shrsi %get3A_127, %shift_right_arithmetic3A_248 : vector<16xi32>
        %eq3A = vector.broadcast %add3A : i32 to vector<16xi32>
        %eq3A_250 = arith.cmpi eq, %shift_right_arithmetic3A_249, %eq3A : vector<16xi32>
        %and3A = arith.constant 65535 : i32
        %and3A_251 = vector.broadcast %and3A : i32 to vector<16xi32>
        %and3A_252 = arith.andi %get3A_127, %and3A_251 : vector<16xi32>
        tpu.vector_store_idx %arg7[%and3A_252], %get3A_191 masked %eq3A_250 : memref<65536xf32, #tpu.memory_space<vmem>>[vector<16xi32>], vector<16xf32>, vector<16xi1>
        %shift_right_arithmetic3A_253 = arith.constant 16 : i32
        %shift_right_arithmetic3A_254 = vector.broadcast %shift_right_arithmetic3A_253 : i32 to vector<16xi32>
        %shift_right_arithmetic3A_255 = arith.shrsi %get3A_135, %shift_right_arithmetic3A_254 : vector<16xi32>
        %eq3A_256 = vector.broadcast %add3A : i32 to vector<16xi32>
        %eq3A_257 = arith.cmpi eq, %shift_right_arithmetic3A_255, %eq3A_256 : vector<16xi32>
        %and3A_258 = arith.constant 65535 : i32
        %and3A_259 = vector.broadcast %and3A_258 : i32 to vector<16xi32>
        %and3A_260 = arith.andi %get3A_135, %and3A_259 : vector<16xi32>
        tpu.vector_store_idx %arg7[%and3A_260], %get3A_199 masked %eq3A_257 : memref<65536xf32, #tpu.memory_space<vmem>>[vector<16xi32>], vector<16xf32>, vector<16xi1>
        %shift_right_arithmetic3A_261 = arith.constant 16 : i32
        %shift_right_arithmetic3A_262 = vector.broadcast %shift_right_arithmetic3A_261 : i32 to vector<16xi32>
        %shift_right_arithmetic3A_263 = arith.shrsi %get3A_143, %shift_right_arithmetic3A_262 : vector<16xi32>
        %eq3A_264 = vector.broadcast %add3A : i32 to vector<16xi32>
        %eq3A_265 = arith.cmpi eq, %shift_right_arithmetic3A_263, %eq3A_264 : vector<16xi32>
        %and3A_266 = arith.constant 65535 : i32
        %and3A_267 = vector.broadcast %and3A_266 : i32 to vector<16xi32>
        %and3A_268 = arith.andi %get3A_143, %and3A_267 : vector<16xi32>
        tpu.vector_store_idx %arg7[%and3A_268], %get3A_207 masked %eq3A_265 : memref<65536xf32, #tpu.memory_space<vmem>>[vector<16xi32>], vector<16xf32>, vector<16xi1>
        %shift_right_arithmetic3A_269 = arith.constant 16 : i32
        %shift_right_arithmetic3A_270 = vector.broadcast %shift_right_arithmetic3A_269 : i32 to vector<16xi32>
        %shift_right_arithmetic3A_271 = arith.shrsi %get3A_151, %shift_right_arithmetic3A_270 : vector<16xi32>
        %eq3A_272 = vector.broadcast %add3A : i32 to vector<16xi32>
        %eq3A_273 = arith.cmpi eq, %shift_right_arithmetic3A_271, %eq3A_272 : vector<16xi32>
        %and3A_274 = arith.constant 65535 : i32
        %and3A_275 = vector.broadcast %and3A_274 : i32 to vector<16xi32>
        %and3A_276 = arith.andi %get3A_151, %and3A_275 : vector<16xi32>
        tpu.vector_store_idx %arg7[%and3A_276], %get3A_215 masked %eq3A_273 : memref<65536xf32, #tpu.memory_space<vmem>>[vector<16xi32>], vector<16xf32>, vector<16xi1>
        %shift_right_arithmetic3A_277 = arith.constant 16 : i32
        %shift_right_arithmetic3A_278 = vector.broadcast %shift_right_arithmetic3A_277 : i32 to vector<16xi32>
        %shift_right_arithmetic3A_279 = arith.shrsi %get3A_159, %shift_right_arithmetic3A_278 : vector<16xi32>
        %eq3A_280 = vector.broadcast %add3A : i32 to vector<16xi32>
        %eq3A_281 = arith.cmpi eq, %shift_right_arithmetic3A_279, %eq3A_280 : vector<16xi32>
        %and3A_282 = arith.constant 65535 : i32
        %and3A_283 = vector.broadcast %and3A_282 : i32 to vector<16xi32>
        %and3A_284 = arith.andi %get3A_159, %and3A_283 : vector<16xi32>
        tpu.vector_store_idx %arg7[%and3A_284], %get3A_223 masked %eq3A_281 : memref<65536xf32, #tpu.memory_space<vmem>>[vector<16xi32>], vector<16xf32>, vector<16xi1>
        %shift_right_arithmetic3A_285 = arith.constant 16 : i32
        %shift_right_arithmetic3A_286 = vector.broadcast %shift_right_arithmetic3A_285 : i32 to vector<16xi32>
        %shift_right_arithmetic3A_287 = arith.shrsi %get3A_167, %shift_right_arithmetic3A_286 : vector<16xi32>
        %eq3A_288 = vector.broadcast %add3A : i32 to vector<16xi32>
        %eq3A_289 = arith.cmpi eq, %shift_right_arithmetic3A_287, %eq3A_288 : vector<16xi32>
        %and3A_290 = arith.constant 65535 : i32
        %and3A_291 = vector.broadcast %and3A_290 : i32 to vector<16xi32>
        %and3A_292 = arith.andi %get3A_167, %and3A_291 : vector<16xi32>
        tpu.vector_store_idx %arg7[%and3A_292], %get3A_231 masked %eq3A_289 : memref<65536xf32, #tpu.memory_space<vmem>>[vector<16xi32>], vector<16xf32>, vector<16xi1>
        %shift_right_arithmetic3A_293 = arith.constant 16 : i32
        %shift_right_arithmetic3A_294 = vector.broadcast %shift_right_arithmetic3A_293 : i32 to vector<16xi32>
        %shift_right_arithmetic3A_295 = arith.shrsi %get3A_175, %shift_right_arithmetic3A_294 : vector<16xi32>
        %eq3A_296 = vector.broadcast %add3A : i32 to vector<16xi32>
        %eq3A_297 = arith.cmpi eq, %shift_right_arithmetic3A_295, %eq3A_296 : vector<16xi32>
        %and3A_298 = arith.constant 65535 : i32
        %and3A_299 = vector.broadcast %and3A_298 : i32 to vector<16xi32>
        %and3A_300 = arith.andi %get3A_175, %and3A_299 : vector<16xi32>
        tpu.vector_store_idx %arg7[%and3A_300], %get3A_239 masked %eq3A_297 : memref<65536xf32, #tpu.memory_space<vmem>>[vector<16xi32>], vector<16xf32>, vector<16xi1>
        %shift_right_arithmetic3A_301 = arith.constant 16 : i32
        %shift_right_arithmetic3A_302 = vector.broadcast %shift_right_arithmetic3A_301 : i32 to vector<16xi32>
        %shift_right_arithmetic3A_303 = arith.shrsi %get3A_183, %shift_right_arithmetic3A_302 : vector<16xi32>
        %eq3A_304 = vector.broadcast %add3A : i32 to vector<16xi32>
        %eq3A_305 = arith.cmpi eq, %shift_right_arithmetic3A_303, %eq3A_304 : vector<16xi32>
        %and3A_306 = arith.constant 65535 : i32
        %and3A_307 = vector.broadcast %and3A_306 : i32 to vector<16xi32>
        %and3A_308 = arith.andi %get3A_183, %and3A_307 : vector<16xi32>
        tpu.vector_store_idx %arg7[%and3A_308], %get3A_247 masked %eq3A_305 : memref<65536xf32, #tpu.memory_space<vmem>>[vector<16xi32>], vector<16xf32>, vector<16xi1>
      }
      %scan3A_88 = arith.constant 64 : i32
      %mul3A_89 = arith.constant 2 : i32
      %mul3A_90 = arith.muli %add3A_65, %mul3A_89 : i32
      %add3A_91 = arith.constant 1 : i32
      %add3A_92 = arith.addi %mul3A_90, %add3A_91 : i32
      %add3A_93 = arith.constant 1 : i32
      %add3A_94 = arith.addi %add3A_92, %add3A_93 : i32
      %lt3A_95 = arith.constant 256 : i32
      %lt3A_96 = arith.cmpi slt, %add3A_94, %lt3A_95 : i32
      %convert_element_type3A_97 = arith.extui %lt3A_96 : i1 to i32
      %cond3A_98 = arith.constant 0 : i32
      %cond3A_99 = arith.cmpi ne, %convert_element_type3A_97, %cond3A_98 : i32
      scf.if %cond3A_99 {
        %add3A_116 = arith.constant 1 : i32
        %add3A_117 = arith.addi %add3A_92, %add3A_116 : i32
        %mul3A_118 = arith.constant 8192 : i32
        %mul3A_119 = arith.muli %add3A_117, %mul3A_118 : i32
        %dma_start3A_120 = tpu.memref_slice %arg2[%mul3A_119] : memref<2097152xi32, #tpu.memory_space<hbm>> -> memref<8192xi32, #tpu.memory_space<hbm>>
        %dma_start3A_121 = tpu.memref_slice %arg2[%mul3A_119] : memref<2097152xi32, #tpu.memory_space<hbm>> -> memref<8192xi32, #tpu.memory_space<hbm>>
        tpu.enqueue_dma source(%dma_start3A_121 : memref<8192xi32, #tpu.memory_space<hbm>>) target(%arg8 : memref<8192xi32, #tpu.memory_space<vmem>>) target_semaphore(%arg15 : memref<!tpu.dma_semaphore, #tpu.memory_space<semaphore_mem>>)
        %dma_start3A_122 = arith.constant 1 : i32
        %dma_start3A_123 = tpu.memref_slice %arg3[%dma_start3A_122, %mul3A_119] : memref<2x2097152xf32, #tpu.memory_space<hbm>> -> memref<1x8192xf32, #tpu.memory_space<hbm>>
        %dma_start3A_124 = tpu.memref_squeeze %dma_start3A_123 : memref<1x8192xf32, #tpu.memory_space<hbm>> -> memref<8192xf32, #tpu.memory_space<hbm>>
        %dma_start3A_125 = tpu.memref_slice %arg3[%dma_start3A_122, %mul3A_119] : memref<2x2097152xf32, #tpu.memory_space<hbm>> -> memref<1x8192xf32, #tpu.memory_space<hbm>>
        %dma_start3A_126 = tpu.memref_squeeze %dma_start3A_125 : memref<1x8192xf32, #tpu.memory_space<hbm>> -> memref<8192xf32, #tpu.memory_space<hbm>>
        tpu.enqueue_dma source(%dma_start3A_126 : memref<8192xf32, #tpu.memory_space<hbm>>) target(%arg10 : memref<8192xf32, #tpu.memory_space<vmem>>) target_semaphore(%arg15 : memref<!tpu.dma_semaphore, #tpu.memory_space<semaphore_mem>>)
      } else {
      }
      %dma_wait3A_100 = arith.constant 0 : i32
      %dma_wait3A_101 = tpu.memref_slice %arg2[%dma_wait3A_100] : memref<2097152xi32, #tpu.memory_space<hbm>> -> memref<8192xi32, #tpu.memory_space<hbm>>
      %dma_wait3A_102 = arith.constant 0 : i32
      %dma_wait3A_103 = tpu.memref_slice %arg2[%dma_wait3A_102] : memref<2097152xi32, #tpu.memory_space<hbm>> -> memref<8192xi32, #tpu.memory_space<hbm>>
      tpu.wait_dma2 semaphore(%arg16 : memref<!tpu.dma_semaphore, #tpu.memory_space<semaphore_mem>>) src(%dma_wait3A_103 : memref<8192xi32, #tpu.memory_space<hbm>>) dst(%arg9 : memref<8192xi32, #tpu.memory_space<vmem>>)
      %dma_wait3A_104 = arith.constant 0 : i32
      %dma_wait3A_105 = arith.constant 0 : i32
      %dma_wait3A_106 = tpu.memref_slice %arg3[%dma_wait3A_104, %dma_wait3A_105] : memref<2x2097152xf32, #tpu.memory_space<hbm>> -> memref<1x8192xf32, #tpu.memory_space<hbm>>
      %dma_wait3A_107 = tpu.memref_squeeze %dma_wait3A_106 : memref<1x8192xf32, #tpu.memory_space<hbm>> -> memref<8192xf32, #tpu.memory_space<hbm>>
      %dma_wait3A_108 = arith.constant 0 : i32
      %dma_wait3A_109 = tpu.memref_slice %arg3[%dma_wait3A_104, %dma_wait3A_108] : memref<2x2097152xf32, #tpu.memory_space<hbm>> -> memref<1x8192xf32, #tpu.memory_space<hbm>>
      %dma_wait3A_110 = tpu.memref_squeeze %dma_wait3A_109 : memref<1x8192xf32, #tpu.memory_space<hbm>> -> memref<8192xf32, #tpu.memory_space<hbm>>
      tpu.wait_dma2 semaphore(%arg16 : memref<!tpu.dma_semaphore, #tpu.memory_space<semaphore_mem>>) src(%dma_wait3A_110 : memref<8192xf32, #tpu.memory_space<hbm>>) dst(%arg11 : memref<8192xf32, #tpu.memory_space<vmem>>)
      %scan3A_111 = arith.constant 0 : i32
      %scan3A_112 = arith.constant 64 : i32
      %scan3A_113 = arith.addi %scan3A_111, %scan3A_112 : i32
      %scan3A_114 = arith.constant 1 : i32
      scf.for %scan3A_116 = %scan3A_111 to %scan3A_113 step %scan3A_114  : i32 {
        %mul3A_117 = arith.constant 1 : i32
        %mul3A_118 = arith.muli %scan3A_116, %mul3A_117 : i32
        %add3A_119 = arith.constant 0 : i32
        %add3A_120 = arith.addi %add3A_119, %mul3A_118 : i32
        %mul3A_121 = arith.constant 8 : i32
        %mul3A_122 = arith.muli %add3A_120, %mul3A_121 : i32
        %add3A_123 = arith.constant 0 : i32
        %add3A_124 = arith.addi %mul3A_122, %add3A_123 : i32
        %mul3A_125 = arith.constant 16 : i32
        %mul3A_126 = arith.muli %add3A_124, %mul3A_125 : i32
        %get3A = arith.index_cast %mul3A_126 : i32 to index
        %get3A_127 = tpu.vector_load %arg9[%get3A] {strides = array<i32>} : memref<8192xi32, #tpu.memory_space<vmem>>, vector<16xi32>,
        %mul3A_128 = arith.constant 8 : i32
        %mul3A_129 = arith.muli %add3A_120, %mul3A_128 : i32
        %add3A_130 = arith.constant 1 : i32
        %add3A_131 = arith.addi %mul3A_129, %add3A_130 : i32
        %mul3A_132 = arith.constant 16 : i32
        %mul3A_133 = arith.muli %add3A_131, %mul3A_132 : i32
        %get3A_134 = arith.index_cast %mul3A_133 : i32 to index
        %get3A_135 = tpu.vector_load %arg9[%get3A_134] {strides = array<i32>} : memref<8192xi32, #tpu.memory_space<vmem>>, vector<16xi32>,
        %mul3A_136 = arith.constant 8 : i32
        %mul3A_137 = arith.muli %add3A_120, %mul3A_136 : i32
        %add3A_138 = arith.constant 2 : i32
        %add3A_139 = arith.addi %mul3A_137, %add3A_138 : i32
        %mul3A_140 = arith.constant 16 : i32
        %mul3A_141 = arith.muli %add3A_139, %mul3A_140 : i32
        %get3A_142 = arith.index_cast %mul3A_141 : i32 to index
        %get3A_143 = tpu.vector_load %arg9[%get3A_142] {strides = array<i32>} : memref<8192xi32, #tpu.memory_space<vmem>>, vector<16xi32>,
        %mul3A_144 = arith.constant 8 : i32
        %mul3A_145 = arith.muli %add3A_120, %mul3A_144 : i32
        %add3A_146 = arith.constant 3 : i32
        %add3A_147 = arith.addi %mul3A_145, %add3A_146 : i32
        %mul3A_148 = arith.constant 16 : i32
        %mul3A_149 = arith.muli %add3A_147, %mul3A_148 : i32
        %get3A_150 = arith.index_cast %mul3A_149 : i32 to index
        %get3A_151 = tpu.vector_load %arg9[%get3A_150] {strides = array<i32>} : memref<8192xi32, #tpu.memory_space<vmem>>, vector<16xi32>,
        %mul3A_152 = arith.constant 8 : i32
        %mul3A_153 = arith.muli %add3A_120, %mul3A_152 : i32
        %add3A_154 = arith.constant 4 : i32
        %add3A_155 = arith.addi %mul3A_153, %add3A_154 : i32
        %mul3A_156 = arith.constant 16 : i32
        %mul3A_157 = arith.muli %add3A_155, %mul3A_156 : i32
        %get3A_158 = arith.index_cast %mul3A_157 : i32 to index
        %get3A_159 = tpu.vector_load %arg9[%get3A_158] {strides = array<i32>} : memref<8192xi32, #tpu.memory_space<vmem>>, vector<16xi32>,
        %mul3A_160 = arith.constant 8 : i32
        %mul3A_161 = arith.muli %add3A_120, %mul3A_160 : i32
        %add3A_162 = arith.constant 5 : i32
        %add3A_163 = arith.addi %mul3A_161, %add3A_162 : i32
        %mul3A_164 = arith.constant 16 : i32
        %mul3A_165 = arith.muli %add3A_163, %mul3A_164 : i32
        %get3A_166 = arith.index_cast %mul3A_165 : i32 to index
        %get3A_167 = tpu.vector_load %arg9[%get3A_166] {strides = array<i32>} : memref<8192xi32, #tpu.memory_space<vmem>>, vector<16xi32>,
        %mul3A_168 = arith.constant 8 : i32
        %mul3A_169 = arith.muli %add3A_120, %mul3A_168 : i32
        %add3A_170 = arith.constant 6 : i32
        %add3A_171 = arith.addi %mul3A_169, %add3A_170 : i32
        %mul3A_172 = arith.constant 16 : i32
        %mul3A_173 = arith.muli %add3A_171, %mul3A_172 : i32
        %get3A_174 = arith.index_cast %mul3A_173 : i32 to index
        %get3A_175 = tpu.vector_load %arg9[%get3A_174] {strides = array<i32>} : memref<8192xi32, #tpu.memory_space<vmem>>, vector<16xi32>,
        %mul3A_176 = arith.constant 8 : i32
        %mul3A_177 = arith.muli %add3A_120, %mul3A_176 : i32
        %add3A_178 = arith.constant 7 : i32
        %add3A_179 = arith.addi %mul3A_177, %add3A_178 : i32
        %mul3A_180 = arith.constant 16 : i32
        %mul3A_181 = arith.muli %add3A_179, %mul3A_180 : i32
        %get3A_182 = arith.index_cast %mul3A_181 : i32 to index
        %get3A_183 = tpu.vector_load %arg9[%get3A_182] {strides = array<i32>} : memref<8192xi32, #tpu.memory_space<vmem>>, vector<16xi32>,
        %mul3A_184 = arith.constant 8 : i32
        %mul3A_185 = arith.muli %add3A_120, %mul3A_184 : i32
        %add3A_186 = arith.constant 0 : i32
        %add3A_187 = arith.addi %mul3A_185, %add3A_186 : i32
        %mul3A_188 = arith.constant 16 : i32
        %mul3A_189 = arith.muli %add3A_187, %mul3A_188 : i32
        %get3A_190 = arith.index_cast %mul3A_189 : i32 to index
        %get3A_191 = tpu.vector_load %arg11[%get3A_190] {strides = array<i32>} : memref<8192xf32, #tpu.memory_space<vmem>>, vector<16xf32>,
        %mul3A_192 = arith.constant 8 : i32
        %mul3A_193 = arith.muli %add3A_120, %mul3A_192 : i32
        %add3A_194 = arith.constant 1 : i32
        %add3A_195 = arith.addi %mul3A_193, %add3A_194 : i32
        %mul3A_196 = arith.constant 16 : i32
        %mul3A_197 = arith.muli %add3A_195, %mul3A_196 : i32
        %get3A_198 = arith.index_cast %mul3A_197 : i32 to index
        %get3A_199 = tpu.vector_load %arg11[%get3A_198] {strides = array<i32>} : memref<8192xf32, #tpu.memory_space<vmem>>, vector<16xf32>,
        %mul3A_200 = arith.constant 8 : i32
        %mul3A_201 = arith.muli %add3A_120, %mul3A_200 : i32
        %add3A_202 = arith.constant 2 : i32
        %add3A_203 = arith.addi %mul3A_201, %add3A_202 : i32
        %mul3A_204 = arith.constant 16 : i32
        %mul3A_205 = arith.muli %add3A_203, %mul3A_204 : i32
        %get3A_206 = arith.index_cast %mul3A_205 : i32 to index
        %get3A_207 = tpu.vector_load %arg11[%get3A_206] {strides = array<i32>} : memref<8192xf32, #tpu.memory_space<vmem>>, vector<16xf32>,
        %mul3A_208 = arith.constant 8 : i32
        %mul3A_209 = arith.muli %add3A_120, %mul3A_208 : i32
        %add3A_210 = arith.constant 3 : i32
        %add3A_211 = arith.addi %mul3A_209, %add3A_210 : i32
        %mul3A_212 = arith.constant 16 : i32
        %mul3A_213 = arith.muli %add3A_211, %mul3A_212 : i32
        %get3A_214 = arith.index_cast %mul3A_213 : i32 to index
        %get3A_215 = tpu.vector_load %arg11[%get3A_214] {strides = array<i32>} : memref<8192xf32, #tpu.memory_space<vmem>>, vector<16xf32>,
        %mul3A_216 = arith.constant 8 : i32
        %mul3A_217 = arith.muli %add3A_120, %mul3A_216 : i32
        %add3A_218 = arith.constant 4 : i32
        %add3A_219 = arith.addi %mul3A_217, %add3A_218 : i32
        %mul3A_220 = arith.constant 16 : i32
        %mul3A_221 = arith.muli %add3A_219, %mul3A_220 : i32
        %get3A_222 = arith.index_cast %mul3A_221 : i32 to index
        %get3A_223 = tpu.vector_load %arg11[%get3A_222] {strides = array<i32>} : memref<8192xf32, #tpu.memory_space<vmem>>, vector<16xf32>,
        %mul3A_224 = arith.constant 8 : i32
        %mul3A_225 = arith.muli %add3A_120, %mul3A_224 : i32
        %add3A_226 = arith.constant 5 : i32
        %add3A_227 = arith.addi %mul3A_225, %add3A_226 : i32
        %mul3A_228 = arith.constant 16 : i32
        %mul3A_229 = arith.muli %add3A_227, %mul3A_228 : i32
        %get3A_230 = arith.index_cast %mul3A_229 : i32 to index
        %get3A_231 = tpu.vector_load %arg11[%get3A_230] {strides = array<i32>} : memref<8192xf32, #tpu.memory_space<vmem>>, vector<16xf32>,
        %mul3A_232 = arith.constant 8 : i32
        %mul3A_233 = arith.muli %add3A_120, %mul3A_232 : i32
        %add3A_234 = arith.constant 6 : i32
        %add3A_235 = arith.addi %mul3A_233, %add3A_234 : i32
        %mul3A_236 = arith.constant 16 : i32
        %mul3A_237 = arith.muli %add3A_235, %mul3A_236 : i32
        %get3A_238 = arith.index_cast %mul3A_237 : i32 to index
        %get3A_239 = tpu.vector_load %arg11[%get3A_238] {strides = array<i32>} : memref<8192xf32, #tpu.memory_space<vmem>>, vector<16xf32>,
        %mul3A_240 = arith.constant 8 : i32
        %mul3A_241 = arith.muli %add3A_120, %mul3A_240 : i32
        %add3A_242 = arith.constant 7 : i32
        %add3A_243 = arith.addi %mul3A_241, %add3A_242 : i32
        %mul3A_244 = arith.constant 16 : i32
        %mul3A_245 = arith.muli %add3A_243, %mul3A_244 : i32
        %get3A_246 = arith.index_cast %mul3A_245 : i32 to index
        %get3A_247 = tpu.vector_load %arg11[%get3A_246] {strides = array<i32>} : memref<8192xf32, #tpu.memory_space<vmem>>, vector<16xf32>,
        %shift_right_arithmetic3A = arith.constant 16 : i32
        %shift_right_arithmetic3A_248 = vector.broadcast %shift_right_arithmetic3A : i32 to vector<16xi32>
        %shift_right_arithmetic3A_249 = arith.shrsi %get3A_127, %shift_right_arithmetic3A_248 : vector<16xi32>
        %eq3A = vector.broadcast %add3A : i32 to vector<16xi32>
        %eq3A_250 = arith.cmpi eq, %shift_right_arithmetic3A_249, %eq3A : vector<16xi32>
        %and3A = arith.constant 65535 : i32
        %and3A_251 = vector.broadcast %and3A : i32 to vector<16xi32>
        %and3A_252 = arith.andi %get3A_127, %and3A_251 : vector<16xi32>
        tpu.vector_store_idx %arg7[%and3A_252], %get3A_191 masked %eq3A_250 : memref<65536xf32, #tpu.memory_space<vmem>>[vector<16xi32>], vector<16xf32>, vector<16xi1>
        %shift_right_arithmetic3A_253 = arith.constant 16 : i32
        %shift_right_arithmetic3A_254 = vector.broadcast %shift_right_arithmetic3A_253 : i32 to vector<16xi32>
        %shift_right_arithmetic3A_255 = arith.shrsi %get3A_135, %shift_right_arithmetic3A_254 : vector<16xi32>
        %eq3A_256 = vector.broadcast %add3A : i32 to vector<16xi32>
        %eq3A_257 = arith.cmpi eq, %shift_right_arithmetic3A_255, %eq3A_256 : vector<16xi32>
        %and3A_258 = arith.constant 65535 : i32
        %and3A_259 = vector.broadcast %and3A_258 : i32 to vector<16xi32>
        %and3A_260 = arith.andi %get3A_135, %and3A_259 : vector<16xi32>
        tpu.vector_store_idx %arg7[%and3A_260], %get3A_199 masked %eq3A_257 : memref<65536xf32, #tpu.memory_space<vmem>>[vector<16xi32>], vector<16xf32>, vector<16xi1>
        %shift_right_arithmetic3A_261 = arith.constant 16 : i32
        %shift_right_arithmetic3A_262 = vector.broadcast %shift_right_arithmetic3A_261 : i32 to vector<16xi32>
        %shift_right_arithmetic3A_263 = arith.shrsi %get3A_143, %shift_right_arithmetic3A_262 : vector<16xi32>
        %eq3A_264 = vector.broadcast %add3A : i32 to vector<16xi32>
        %eq3A_265 = arith.cmpi eq, %shift_right_arithmetic3A_263, %eq3A_264 : vector<16xi32>
        %and3A_266 = arith.constant 65535 : i32
        %and3A_267 = vector.broadcast %and3A_266 : i32 to vector<16xi32>
        %and3A_268 = arith.andi %get3A_143, %and3A_267 : vector<16xi32>
        tpu.vector_store_idx %arg7[%and3A_268], %get3A_207 masked %eq3A_265 : memref<65536xf32, #tpu.memory_space<vmem>>[vector<16xi32>], vector<16xf32>, vector<16xi1>
        %shift_right_arithmetic3A_269 = arith.constant 16 : i32
        %shift_right_arithmetic3A_270 = vector.broadcast %shift_right_arithmetic3A_269 : i32 to vector<16xi32>
        %shift_right_arithmetic3A_271 = arith.shrsi %get3A_151, %shift_right_arithmetic3A_270 : vector<16xi32>
        %eq3A_272 = vector.broadcast %add3A : i32 to vector<16xi32>
        %eq3A_273 = arith.cmpi eq, %shift_right_arithmetic3A_271, %eq3A_272 : vector<16xi32>
        %and3A_274 = arith.constant 65535 : i32
        %and3A_275 = vector.broadcast %and3A_274 : i32 to vector<16xi32>
        %and3A_276 = arith.andi %get3A_151, %and3A_275 : vector<16xi32>
        tpu.vector_store_idx %arg7[%and3A_276], %get3A_215 masked %eq3A_273 : memref<65536xf32, #tpu.memory_space<vmem>>[vector<16xi32>], vector<16xf32>, vector<16xi1>
        %shift_right_arithmetic3A_277 = arith.constant 16 : i32
        %shift_right_arithmetic3A_278 = vector.broadcast %shift_right_arithmetic3A_277 : i32 to vector<16xi32>
        %shift_right_arithmetic3A_279 = arith.shrsi %get3A_159, %shift_right_arithmetic3A_278 : vector<16xi32>
        %eq3A_280 = vector.broadcast %add3A : i32 to vector<16xi32>
        %eq3A_281 = arith.cmpi eq, %shift_right_arithmetic3A_279, %eq3A_280 : vector<16xi32>
        %and3A_282 = arith.constant 65535 : i32
        %and3A_283 = vector.broadcast %and3A_282 : i32 to vector<16xi32>
        %and3A_284 = arith.andi %get3A_159, %and3A_283 : vector<16xi32>
        tpu.vector_store_idx %arg7[%and3A_284], %get3A_223 masked %eq3A_281 : memref<65536xf32, #tpu.memory_space<vmem>>[vector<16xi32>], vector<16xf32>, vector<16xi1>
        %shift_right_arithmetic3A_285 = arith.constant 16 : i32
        %shift_right_arithmetic3A_286 = vector.broadcast %shift_right_arithmetic3A_285 : i32 to vector<16xi32>
        %shift_right_arithmetic3A_287 = arith.shrsi %get3A_167, %shift_right_arithmetic3A_286 : vector<16xi32>
        %eq3A_288 = vector.broadcast %add3A : i32 to vector<16xi32>
        %eq3A_289 = arith.cmpi eq, %shift_right_arithmetic3A_287, %eq3A_288 : vector<16xi32>
        %and3A_290 = arith.constant 65535 : i32
        %and3A_291 = vector.broadcast %and3A_290 : i32 to vector<16xi32>
        %and3A_292 = arith.andi %get3A_167, %and3A_291 : vector<16xi32>
        tpu.vector_store_idx %arg7[%and3A_292], %get3A_231 masked %eq3A_289 : memref<65536xf32, #tpu.memory_space<vmem>>[vector<16xi32>], vector<16xf32>, vector<16xi1>
        %shift_right_arithmetic3A_293 = arith.constant 16 : i32
        %shift_right_arithmetic3A_294 = vector.broadcast %shift_right_arithmetic3A_293 : i32 to vector<16xi32>
        %shift_right_arithmetic3A_295 = arith.shrsi %get3A_175, %shift_right_arithmetic3A_294 : vector<16xi32>
        %eq3A_296 = vector.broadcast %add3A : i32 to vector<16xi32>
        %eq3A_297 = arith.cmpi eq, %shift_right_arithmetic3A_295, %eq3A_296 : vector<16xi32>
        %and3A_298 = arith.constant 65535 : i32
        %and3A_299 = vector.broadcast %and3A_298 : i32 to vector<16xi32>
        %and3A_300 = arith.andi %get3A_175, %and3A_299 : vector<16xi32>
        tpu.vector_store_idx %arg7[%and3A_300], %get3A_239 masked %eq3A_297 : memref<65536xf32, #tpu.memory_space<vmem>>[vector<16xi32>], vector<16xf32>, vector<16xi1>
        %shift_right_arithmetic3A_301 = arith.constant 16 : i32
        %shift_right_arithmetic3A_302 = vector.broadcast %shift_right_arithmetic3A_301 : i32 to vector<16xi32>
        %shift_right_arithmetic3A_303 = arith.shrsi %get3A_183, %shift_right_arithmetic3A_302 : vector<16xi32>
        %eq3A_304 = vector.broadcast %add3A : i32 to vector<16xi32>
        %eq3A_305 = arith.cmpi eq, %shift_right_arithmetic3A_303, %eq3A_304 : vector<16xi32>
        %and3A_306 = arith.constant 65535 : i32
        %and3A_307 = vector.broadcast %and3A_306 : i32 to vector<16xi32>
        %and3A_308 = arith.andi %get3A_183, %and3A_307 : vector<16xi32>
        tpu.vector_store_idx %arg7[%and3A_308], %get3A_247 masked %eq3A_305 : memref<65536xf32, #tpu.memory_space<vmem>>[vector<16xi32>], vector<16xf32>, vector<16xi1>
      }
      %scan3A_115 = arith.constant 64 : i32
    }
    %scan3A_51 = arith.constant 128 : i32
    %scan3A_52 = arith.constant 0 : i32
    %scan3A_53 = arith.constant 16 : i32
    %scan3A_54 = arith.addi %scan3A_52, %scan3A_53 : i32
    %scan3A_55 = arith.constant 1 : i32
    %scan3A_56:2 = scf.for %scan3A_61 = %scan3A_52 to %scan3A_54 step %scan3A_55 iter_args(%scan3A_62 = %scan3A_29#0, %scan3A_63 = %scan3A_29#1) -> (vector<16xf32>, vector<16xf32>)  : i32 {
      %mul3A_64 = arith.constant 1 : i32
      %mul3A_65 = arith.muli %scan3A_61, %mul3A_64 : i32
      %add3A_66 = arith.constant 0 : i32
      %add3A_67 = arith.addi %add3A_66, %mul3A_65 : i32
      %mul3A_68 = arith.constant 4096 : i32
      %mul3A_69 = arith.muli %add3A_67, %mul3A_68 : i32
      %add3A_70 = arith.addi %mul3A_2, %mul3A_69 : i32
      %run_scoped3A = arith.constant 1 : i32
      "tpu.region"() ({
        %run_scoped3A_81 = tpu.sem_alloc : memref<!tpu.dma_semaphore, #tpu.memory_space<semaphore_mem>>
        %dma_start3A_82 = tpu.memref_slice %arg4[%run_scoped3A, %add3A_70] : memref<2x2097152xf32, #tpu.memory_space<hbm>> -> memref<1x4096xf32, #tpu.memory_space<hbm>>
        %dma_start3A_83 = tpu.memref_squeeze %dma_start3A_82 : memref<1x4096xf32, #tpu.memory_space<hbm>> -> memref<4096xf32, #tpu.memory_space<hbm>>
        %dma_start3A_84 = tpu.memref_slice %arg4[%run_scoped3A, %add3A_70] : memref<2x2097152xf32, #tpu.memory_space<hbm>> -> memref<1x4096xf32, #tpu.memory_space<hbm>>
        %dma_start3A_85 = tpu.memref_squeeze %dma_start3A_84 : memref<1x4096xf32, #tpu.memory_space<hbm>> -> memref<4096xf32, #tpu.memory_space<hbm>>
        tpu.enqueue_dma source(%dma_start3A_85 : memref<4096xf32, #tpu.memory_space<hbm>>) target(%arg12 : memref<4096xf32, #tpu.memory_space<vmem>>) target_semaphore(%run_scoped3A_81 : memref<!tpu.dma_semaphore, #tpu.memory_space<semaphore_mem>>)
        %dma_wait3A = tpu.memref_slice %arg4[%run_scoped3A, %add3A_70] : memref<2x2097152xf32, #tpu.memory_space<hbm>> -> memref<1x4096xf32, #tpu.memory_space<hbm>>
        %dma_wait3A_86 = tpu.memref_squeeze %dma_wait3A : memref<1x4096xf32, #tpu.memory_space<hbm>> -> memref<4096xf32, #tpu.memory_space<hbm>>
        %dma_wait3A_87 = tpu.memref_slice %arg4[%run_scoped3A, %add3A_70] : memref<2x2097152xf32, #tpu.memory_space<hbm>> -> memref<1x4096xf32, #tpu.memory_space<hbm>>
        %dma_wait3A_88 = tpu.memref_squeeze %dma_wait3A_87 : memref<1x4096xf32, #tpu.memory_space<hbm>> -> memref<4096xf32, #tpu.memory_space<hbm>>
        tpu.wait_dma2 semaphore(%run_scoped3A_81 : memref<!tpu.dma_semaphore, #tpu.memory_space<semaphore_mem>>) src(%dma_wait3A_88 : memref<4096xf32, #tpu.memory_space<hbm>>) dst(%arg12 : memref<4096xf32, #tpu.memory_space<vmem>>)
        tpu.yield
      }) : () -> ()
      %scan3A_71 = arith.constant 0 : i32
      %scan3A_72 = arith.constant 256 : i32
      %scan3A_73 = arith.addi %scan3A_71, %scan3A_72 : i32
      %scan3A_74 = arith.constant 4 : i32
      %scan3A_75:2 = scf.for %scan3A_81 = %scan3A_71 to %scan3A_73 step %scan3A_74 iter_args(%scan3A_82 = %scan3A_62, %scan3A_83 = %scan3A_63) -> (vector<16xf32>, vector<16xf32>)  : i32 {
        %mul3A_84 = arith.constant 1 : i32
        %mul3A_85 = arith.muli %scan3A_81, %mul3A_84 : i32
        %add3A_86 = arith.constant 0 : i32
        %add3A_87 = arith.addi %add3A_86, %mul3A_85 : i32
        %mul3A_88 = arith.constant 16 : i32
        %mul3A_89 = arith.muli %add3A_87, %mul3A_88 : i32
        %get3A = arith.index_cast %mul3A_89 : i32 to index
        %get3A_90 = tpu.vector_load %arg12[%get3A] {strides = array<i32>} : memref<4096xf32, #tpu.memory_space<vmem>>, vector<16xf32>,
        %mul3A_91 = arith.constant 4096 : i32
        %mul3A_92 = arith.muli %add3A_67, %mul3A_91 : i32
        %mul3A_93 = arith.constant 16 : i32
        %mul3A_94 = arith.muli %add3A_87, %mul3A_93 : i32
        %add3A_95 = arith.addi %mul3A_92, %mul3A_94 : i32
        %get3A_96 = arith.index_cast %add3A_95 : i32 to index
        %get3A_97 = tpu.vector_load %arg7[%get3A_96] {strides = array<i32>} : memref<65536xf32, #tpu.memory_space<vmem>>, vector<16xf32>,
        %ge3A = arith.constant 0.000000e+00 : f32
        %ge3A_98 = vector.broadcast %ge3A : f32 to vector<16xf32>
        %ge3A_99 = arith.cmpf oge, %get3A_90, %ge3A_98 : vector<16xf32>
        %mul3A_100 = arith.constant 0.949999988 : f32
        %mul3A_101 = vector.broadcast %mul3A_100 : f32 to vector<16xf32>
        %mul3A_102 = arith.mulf %get3A_90, %mul3A_101 : vector<16xf32>
        %max3A = arith.maximumf %mul3A_102, %get3A_97 : vector<16xf32>
        %select_n3A = arith.select %ge3A_99, %max3A, %get3A_90 : vector<16xi1>, vector<16xf32>
        %mul3A_103 = arith.constant 16 : i32
        %mul3A_104 = arith.muli %add3A_87, %mul3A_103 : i32
        %swap3A_105 = arith.index_cast %mul3A_104 : i32 to index
        %swap3A_106 = tpu.vector_load %arg13[%swap3A_105] {strides = array<i32>} : memref<4096xf32, #tpu.memory_space<vmem>>, vector<16xf32>,
        tpu.vector_store %arg13[%swap3A_105], %select_n3A {strides = array<i32>} : memref<4096xf32, #tpu.memory_space<vmem>>, vector<16xf32>,
        %select_n3A_107 = arith.select %ge3A_99, %select_n3A, %broadcast_in_dim3A_3 : vector<16xi1>, vector<16xf32>
        %add3A_108 = arith.addf %scan3A_82, %select_n3A_107 : vector<16xf32>
        %jit3A = arith.constant 1.000000e+00 : f32
        %broadcast_in_dim3A_109 = vector.broadcast %jit3A : f32 to vector<16xf32>
        %select_n3A_110 = arith.select %ge3A_99, %broadcast_in_dim3A_109, %broadcast_in_dim3A_3 : vector<16xi1>, vector<16xf32>
        %add3A_111 = arith.addf %scan3A_83, %select_n3A_110 : vector<16xf32>
        %scan3A_112 = arith.constant 1 : i32
        %scan3A_113 = arith.addi %scan3A_81, %scan3A_112 : i32
        %mul3A_114 = arith.constant 1 : i32
        %mul3A_115 = arith.muli %scan3A_113, %mul3A_114 : i32
        %add3A_116 = arith.constant 0 : i32
        %add3A_117 = arith.addi %add3A_116, %mul3A_115 : i32
        %mul3A_118 = arith.constant 16 : i32
        %mul3A_119 = arith.muli %add3A_117, %mul3A_118 : i32
        %get3A_120 = arith.index_cast %mul3A_119 : i32 to index
        %get3A_121 = tpu.vector_load %arg12[%get3A_120] {strides = array<i32>} : memref<4096xf32, #tpu.memory_space<vmem>>, vector<16xf32>,
        %mul3A_122 = arith.constant 4096 : i32
        %mul3A_123 = arith.muli %add3A_67, %mul3A_122 : i32
        %mul3A_124 = arith.constant 16 : i32
        %mul3A_125 = arith.muli %add3A_117, %mul3A_124 : i32
        %add3A_126 = arith.addi %mul3A_123, %mul3A_125 : i32
        %get3A_127 = arith.index_cast %add3A_126 : i32 to index
        %get3A_128 = tpu.vector_load %arg7[%get3A_127] {strides = array<i32>} : memref<65536xf32, #tpu.memory_space<vmem>>, vector<16xf32>,
        %ge3A_129 = arith.constant 0.000000e+00 : f32
        %ge3A_130 = vector.broadcast %ge3A_129 : f32 to vector<16xf32>
        %ge3A_131 = arith.cmpf oge, %get3A_121, %ge3A_130 : vector<16xf32>
        %mul3A_132 = arith.constant 0.949999988 : f32
        %mul3A_133 = vector.broadcast %mul3A_132 : f32 to vector<16xf32>
        %mul3A_134 = arith.mulf %get3A_121, %mul3A_133 : vector<16xf32>
        %max3A_135 = arith.maximumf %mul3A_134, %get3A_128 : vector<16xf32>
        %select_n3A_136 = arith.select %ge3A_131, %max3A_135, %get3A_121 : vector<16xi1>, vector<16xf32>
        %mul3A_137 = arith.constant 16 : i32
        %mul3A_138 = arith.muli %add3A_117, %mul3A_137 : i32
        %swap3A_139 = arith.index_cast %mul3A_138 : i32 to index
        %swap3A_140 = tpu.vector_load %arg13[%swap3A_139] {strides = array<i32>} : memref<4096xf32, #tpu.memory_space<vmem>>, vector<16xf32>,
        tpu.vector_store %arg13[%swap3A_139], %select_n3A_136 {strides = array<i32>} : memref<4096xf32, #tpu.memory_space<vmem>>, vector<16xf32>,
        %select_n3A_141 = arith.select %ge3A_131, %select_n3A_136, %broadcast_in_dim3A_3 : vector<16xi1>, vector<16xf32>
        %add3A_142 = arith.addf %add3A_108, %select_n3A_141 : vector<16xf32>
        %jit3A_143 = arith.constant 1.000000e+00 : f32
        %broadcast_in_dim3A_144 = vector.broadcast %jit3A_143 : f32 to vector<16xf32>
        %select_n3A_145 = arith.select %ge3A_131, %broadcast_in_dim3A_144, %broadcast_in_dim3A_3 : vector<16xi1>, vector<16xf32>
        %add3A_146 = arith.addf %add3A_111, %select_n3A_145 : vector<16xf32>
        %scan3A_147 = arith.constant 2 : i32
        %scan3A_148 = arith.addi %scan3A_81, %scan3A_147 : i32
        %mul3A_149 = arith.constant 1 : i32
        %mul3A_150 = arith.muli %scan3A_148, %mul3A_149 : i32
        %add3A_151 = arith.constant 0 : i32
        %add3A_152 = arith.addi %add3A_151, %mul3A_150 : i32
        %mul3A_153 = arith.constant 16 : i32
        %mul3A_154 = arith.muli %add3A_152, %mul3A_153 : i32
        %get3A_155 = arith.index_cast %mul3A_154 : i32 to index
        %get3A_156 = tpu.vector_load %arg12[%get3A_155] {strides = array<i32>} : memref<4096xf32, #tpu.memory_space<vmem>>, vector<16xf32>,
        %mul3A_157 = arith.constant 4096 : i32
        %mul3A_158 = arith.muli %add3A_67, %mul3A_157 : i32
        %mul3A_159 = arith.constant 16 : i32
        %mul3A_160 = arith.muli %add3A_152, %mul3A_159 : i32
        %add3A_161 = arith.addi %mul3A_158, %mul3A_160 : i32
        %get3A_162 = arith.index_cast %add3A_161 : i32 to index
        %get3A_163 = tpu.vector_load %arg7[%get3A_162] {strides = array<i32>} : memref<65536xf32, #tpu.memory_space<vmem>>, vector<16xf32>,
        %ge3A_164 = arith.constant 0.000000e+00 : f32
        %ge3A_165 = vector.broadcast %ge3A_164 : f32 to vector<16xf32>
        %ge3A_166 = arith.cmpf oge, %get3A_156, %ge3A_165 : vector<16xf32>
        %mul3A_167 = arith.constant 0.949999988 : f32
        %mul3A_168 = vector.broadcast %mul3A_167 : f32 to vector<16xf32>
        %mul3A_169 = arith.mulf %get3A_156, %mul3A_168 : vector<16xf32>
        %max3A_170 = arith.maximumf %mul3A_169, %get3A_163 : vector<16xf32>
        %select_n3A_171 = arith.select %ge3A_166, %max3A_170, %get3A_156 : vector<16xi1>, vector<16xf32>
        %mul3A_172 = arith.constant 16 : i32
        %mul3A_173 = arith.muli %add3A_152, %mul3A_172 : i32
        %swap3A_174 = arith.index_cast %mul3A_173 : i32 to index
        %swap3A_175 = tpu.vector_load %arg13[%swap3A_174] {strides = array<i32>} : memref<4096xf32, #tpu.memory_space<vmem>>, vector<16xf32>,
        tpu.vector_store %arg13[%swap3A_174], %select_n3A_171 {strides = array<i32>} : memref<4096xf32, #tpu.memory_space<vmem>>, vector<16xf32>,
        %select_n3A_176 = arith.select %ge3A_166, %select_n3A_171, %broadcast_in_dim3A_3 : vector<16xi1>, vector<16xf32>
        %add3A_177 = arith.addf %add3A_142, %select_n3A_176 : vector<16xf32>
        %jit3A_178 = arith.constant 1.000000e+00 : f32
        %broadcast_in_dim3A_179 = vector.broadcast %jit3A_178 : f32 to vector<16xf32>
        %select_n3A_180 = arith.select %ge3A_166, %broadcast_in_dim3A_179, %broadcast_in_dim3A_3 : vector<16xi1>, vector<16xf32>
        %add3A_181 = arith.addf %add3A_146, %select_n3A_180 : vector<16xf32>
        %scan3A_182 = arith.constant 3 : i32
        %scan3A_183 = arith.addi %scan3A_81, %scan3A_182 : i32
        %mul3A_184 = arith.constant 1 : i32
        %mul3A_185 = arith.muli %scan3A_183, %mul3A_184 : i32
        %add3A_186 = arith.constant 0 : i32
        %add3A_187 = arith.addi %add3A_186, %mul3A_185 : i32
        %mul3A_188 = arith.constant 16 : i32
        %mul3A_189 = arith.muli %add3A_187, %mul3A_188 : i32
        %get3A_190 = arith.index_cast %mul3A_189 : i32 to index
        %get3A_191 = tpu.vector_load %arg12[%get3A_190] {strides = array<i32>} : memref<4096xf32, #tpu.memory_space<vmem>>, vector<16xf32>,
        %mul3A_192 = arith.constant 4096 : i32
        %mul3A_193 = arith.muli %add3A_67, %mul3A_192 : i32
        %mul3A_194 = arith.constant 16 : i32
        %mul3A_195 = arith.muli %add3A_187, %mul3A_194 : i32
        %add3A_196 = arith.addi %mul3A_193, %mul3A_195 : i32
        %get3A_197 = arith.index_cast %add3A_196 : i32 to index
        %get3A_198 = tpu.vector_load %arg7[%get3A_197] {strides = array<i32>} : memref<65536xf32, #tpu.memory_space<vmem>>, vector<16xf32>,
        %ge3A_199 = arith.constant 0.000000e+00 : f32
        %ge3A_200 = vector.broadcast %ge3A_199 : f32 to vector<16xf32>
        %ge3A_201 = arith.cmpf oge, %get3A_191, %ge3A_200 : vector<16xf32>
        %mul3A_202 = arith.constant 0.949999988 : f32
        %mul3A_203 = vector.broadcast %mul3A_202 : f32 to vector<16xf32>
        %mul3A_204 = arith.mulf %get3A_191, %mul3A_203 : vector<16xf32>
        %max3A_205 = arith.maximumf %mul3A_204, %get3A_198 : vector<16xf32>
        %select_n3A_206 = arith.select %ge3A_201, %max3A_205, %get3A_191 : vector<16xi1>, vector<16xf32>
        %mul3A_207 = arith.constant 16 : i32
        %mul3A_208 = arith.muli %add3A_187, %mul3A_207 : i32
        %swap3A_209 = arith.index_cast %mul3A_208 : i32 to index
        %swap3A_210 = tpu.vector_load %arg13[%swap3A_209] {strides = array<i32>} : memref<4096xf32, #tpu.memory_space<vmem>>, vector<16xf32>,
        tpu.vector_store %arg13[%swap3A_209], %select_n3A_206 {strides = array<i32>} : memref<4096xf32, #tpu.memory_space<vmem>>, vector<16xf32>,
        %select_n3A_211 = arith.select %ge3A_201, %select_n3A_206, %broadcast_in_dim3A_3 : vector<16xi1>, vector<16xf32>
        %add3A_212 = arith.addf %add3A_177, %select_n3A_211 : vector<16xf32>
        %jit3A_213 = arith.constant 1.000000e+00 : f32
        %broadcast_in_dim3A_214 = vector.broadcast %jit3A_213 : f32 to vector<16xf32>
        %select_n3A_215 = arith.select %ge3A_201, %broadcast_in_dim3A_214, %broadcast_in_dim3A_3 : vector<16xi1>, vector<16xf32>
        %add3A_216 = arith.addf %add3A_181, %select_n3A_215 : vector<16xf32>
        scf.yield %add3A_212, %add3A_216 : vector<16xf32>, vector<16xf32>
      }
      %scan3A_76 = arith.constant 256 : i32
      %mul3A_77 = arith.constant 4096 : i32
      %mul3A_78 = arith.muli %add3A_67, %mul3A_77 : i32
      %add3A_79 = arith.addi %mul3A_2, %mul3A_78 : i32
      %run_scoped3A_80 = arith.constant 1 : i32
      "tpu.region"() ({
        %run_scoped3A_81 = tpu.sem_alloc : memref<!tpu.dma_semaphore, #tpu.memory_space<semaphore_mem>>
        %dma_start3A_82 = tpu.memref_slice %arg5[%run_scoped3A_80, %add3A_79] : memref<2x2097152xf32, #tpu.memory_space<hbm>> -> memref<1x4096xf32, #tpu.memory_space<hbm>>
        %dma_start3A_83 = tpu.memref_squeeze %dma_start3A_82 : memref<1x4096xf32, #tpu.memory_space<hbm>> -> memref<4096xf32, #tpu.memory_space<hbm>>
        %dma_start3A_84 = tpu.memref_slice %arg5[%run_scoped3A_80, %add3A_79] : memref<2x2097152xf32, #tpu.memory_space<hbm>> -> memref<1x4096xf32, #tpu.memory_space<hbm>>
        %dma_start3A_85 = tpu.memref_squeeze %dma_start3A_84 : memref<1x4096xf32, #tpu.memory_space<hbm>> -> memref<4096xf32, #tpu.memory_space<hbm>>
        tpu.enqueue_dma source(%arg13 : memref<4096xf32, #tpu.memory_space<vmem>>) target(%dma_start3A_85 : memref<4096xf32, #tpu.memory_space<hbm>>) target_semaphore(%run_scoped3A_81 : memref<!tpu.dma_semaphore, #tpu.memory_space<semaphore_mem>>)
        %dma_wait3A = tpu.memref_slice %arg5[%run_scoped3A_80, %add3A_79] : memref<2x2097152xf32, #tpu.memory_space<hbm>> -> memref<1x4096xf32, #tpu.memory_space<hbm>>
        %dma_wait3A_86 = tpu.memref_squeeze %dma_wait3A : memref<1x4096xf32, #tpu.memory_space<hbm>> -> memref<4096xf32, #tpu.memory_space<hbm>>
        %dma_wait3A_87 = tpu.memref_slice %arg5[%run_scoped3A_80, %add3A_79] : memref<2x2097152xf32, #tpu.memory_space<hbm>> -> memref<1x4096xf32, #tpu.memory_space<hbm>>
        %dma_wait3A_88 = tpu.memref_squeeze %dma_wait3A_87 : memref<1x4096xf32, #tpu.memory_space<hbm>> -> memref<4096xf32, #tpu.memory_space<hbm>>
        tpu.wait_dma2 semaphore(%run_scoped3A_81 : memref<!tpu.dma_semaphore, #tpu.memory_space<semaphore_mem>>) src(%arg13 : memref<4096xf32, #tpu.memory_space<vmem>>) dst(%dma_wait3A_88 : memref<4096xf32, #tpu.memory_space<hbm>>)
        tpu.yield
      }) : () -> ()
      scf.yield %scan3A_75#0, %scan3A_75#1 : vector<16xf32>, vector<16xf32>
    }
    %scan3A_57 = arith.constant 16 : i32
    %swap3A = arith.constant 0 : index
    %swap3A_58 = tpu.vector_load %arg14[%swap3A] {strides = array<i32>} : memref<32xf32, #tpu.memory_space<vmem>>, vector<16xf32>,
    tpu.vector_store %arg14[%swap3A], %scan3A_56#0 {strides = array<i32>} : memref<32xf32, #tpu.memory_space<vmem>>, vector<16xf32>,
    %swap3A_59 = arith.constant 16 : index
    %swap3A_60 = tpu.vector_load %arg14[%swap3A_59] {strides = array<i32>} : memref<32xf32, #tpu.memory_space<vmem>>, vector<16xf32>,
    tpu.vector_store %arg14[%swap3A_59], %scan3A_56#1 {strides = array<i32>} : memref<32xf32, #tpu.memory_space<vmem>>, vector<16xf32>,
    "tpu.region"() ({
      %run_scoped3A = tpu.sem_alloc : memref<!tpu.dma_semaphore, #tpu.memory_space<semaphore_mem>>
      %dma_start3A_61 = arith.constant 0 : i32
      %dma_start3A_62 = tpu.memref_slice %arg6[%add3A, %dma_start3A_61] : memref<32x32xf32, #tpu.memory_space<hbm>> -> memref<1x32xf32, #tpu.memory_space<hbm>>
      %dma_start3A_63 = tpu.memref_squeeze %dma_start3A_62 : memref<1x32xf32, #tpu.memory_space<hbm>> -> memref<32xf32, #tpu.memory_space<hbm>>
      %dma_start3A_64 = arith.constant 0 : i32
      %dma_start3A_65 = tpu.memref_slice %arg6[%add3A, %dma_start3A_64] : memref<32x32xf32, #tpu.memory_space<hbm>> -> memref<1x32xf32, #tpu.memory_space<hbm>>
      %dma_start3A_66 = tpu.memref_squeeze %dma_start3A_65 : memref<1x32xf32, #tpu.memory_space<hbm>> -> memref<32xf32, #tpu.memory_space<hbm>>
      tpu.enqueue_dma source(%arg14 : memref<32xf32, #tpu.memory_space<vmem>>) target(%dma_start3A_66 : memref<32xf32, #tpu.memory_space<hbm>>) target_semaphore(%run_scoped3A : memref<!tpu.dma_semaphore, #tpu.memory_space<semaphore_mem>>)
      %dma_wait3A = arith.constant 0 : i32
      %dma_wait3A_67 = tpu.memref_slice %arg6[%add3A, %dma_wait3A] : memref<32x32xf32, #tpu.memory_space<hbm>> -> memref<1x32xf32, #tpu.memory_space<hbm>>
      %dma_wait3A_68 = tpu.memref_squeeze %dma_wait3A_67 : memref<1x32xf32, #tpu.memory_space<hbm>> -> memref<32xf32, #tpu.memory_space<hbm>>
      %dma_wait3A_69 = arith.constant 0 : i32
      %dma_wait3A_70 = tpu.memref_slice %arg6[%add3A, %dma_wait3A_69] : memref<32x32xf32, #tpu.memory_space<hbm>> -> memref<1x32xf32, #tpu.memory_space<hbm>>
      %dma_wait3A_71 = tpu.memref_squeeze %dma_wait3A_70 : memref<1x32xf32, #tpu.memory_space<hbm>> -> memref<32xf32, #tpu.memory_space<hbm>>
      tpu.wait_dma2 semaphore(%run_scoped3A : memref<!tpu.dma_semaphore, #tpu.memory_space<semaphore_mem>>) src(%arg14 : memref<32xf32, #tpu.memory_space<vmem>>) dst(%dma_wait3A_71 : memref<32xf32, #tpu.memory_space<hbm>>)
      tpu.yield
    }) : () -> ()
    return
  }
}

module attributes {stable_mosaic.version = 14 : i64} {
  func.func @_pack_body(%arg0: i32, %arg1: memref<1x1xf32, #tpu.memory_space<smem>>, %arg2: memref<1024x128xf32, #tpu.memory_space<vmem>>, %arg3: memref<1024x16xf32, #tpu.memory_space<vmem>>) attributes {dimension_semantics = [#tpu.dimension_semantics<arbitrary>], iteration_bounds = array<i64: 32>, scalar_prefetch = 0 : i64, scratch_operands = 0 : i64, tpu.core_type = #tpu.core_type<tc>, window_params = [{transform_indices = @transform_0, window_bounds = array<i64: 1, 1>}, {transform_indices = @transform_1, window_bounds = array<i64: 1024, 128>}, {transform_indices = @transform_2, window_bounds = array<i64: 1024, 16>}]} {
    %get3A = arith.constant 0 : index
    %get3A_0 = arith.constant 0 : index
    %get3A_1 = memref.load %arg1[%get3A, %get3A_0] : memref<1x1xf32, #tpu.memory_space<smem>>
    %get3A_2 = arith.constant 0 : index
    %get3A_3 = arith.constant 0 : index
    %get3A_4 = vector.load %arg2[%get3A_2, %get3A_3] : memref<1024x128xf32, #tpu.memory_space<vmem>>, vector<1024x128xf32>
    %gt3A = vector.broadcast %get3A_1 : f32 to vector<1024x128xf32>
    %gt3A_5 = arith.cmpf ogt, %get3A_4, %gt3A : vector<1024x128xf32>
    %convert_element_type3A = arith.extui %gt3A_5 : vector<1024x128xi1> to vector<1024x128xi32>
    %convert_element_type3A_6 = arith.sitofp %convert_element_type3A : vector<1024x128xi32> to vector<1024x128xf32>
    %iota3A = tpu.iota {dimensions = array<i32: 0>} : vector<128x16xi32>
    %iota3A_7 = tpu.iota {dimensions = array<i32: 1>} : vector<128x16xi32>
    %jit3A = arith.constant 8 : i32
    %div3A = vector.broadcast %jit3A : i32 to vector<128x16xi32>
    %div3A_8 = arith.divsi %iota3A, %div3A : vector<128x16xi32>
    %sign3A = arith.constant 0 : i32
    %sign3A_9 = vector.broadcast %sign3A : i32 to vector<128x16xi32>
    %sign3A_10 = arith.cmpi sgt, %iota3A, %sign3A_9 : vector<128x16xi32>
    %sign3A_11 = arith.extui %sign3A_10 : vector<128x16xi1> to vector<128x16xi32>
    %sign3A_12 = arith.constant 0 : i32
    %sign3A_13 = vector.broadcast %sign3A_12 : i32 to vector<128x16xi32>
    %sign3A_14 = arith.cmpi slt, %iota3A, %sign3A_13 : vector<128x16xi32>
    %sign3A_15 = arith.extui %sign3A_14 : vector<128x16xi1> to vector<128x16xi32>
    %sign3A_16 = arith.subi %sign3A_11, %sign3A_15 : vector<128x16xi32>
    %sign3A_17 = arith.constant 0 : i32
    %sign3A_18 = arith.cmpi sgt, %jit3A, %sign3A_17 : i32
    %sign3A_19 = arith.extui %sign3A_18 : i1 to i32
    %sign3A_20 = arith.constant 0 : i32
    %sign3A_21 = arith.cmpi slt, %jit3A, %sign3A_20 : i32
    %sign3A_22 = arith.extui %sign3A_21 : i1 to i32
    %sign3A_23 = arith.subi %sign3A_19, %sign3A_22 : i32
    %ne3A = vector.broadcast %sign3A_23 : i32 to vector<128x16xi32>
    %ne3A_24 = arith.cmpi ne, %sign3A_16, %ne3A : vector<128x16xi32>
    %rem3A = vector.broadcast %jit3A : i32 to vector<128x16xi32>
    %rem3A_25 = arith.remsi %iota3A, %rem3A : vector<128x16xi32>
    %ne3A_26 = arith.constant 0 : i32
    %ne3A_27 = vector.broadcast %ne3A_26 : i32 to vector<128x16xi32>
    %ne3A_28 = arith.cmpi ne, %rem3A_25, %ne3A_27 : vector<128x16xi32>
    %and3A = arith.andi %ne3A_24, %ne3A_28 : vector<128x16xi1>
    %sub3A = arith.constant 1 : i32
    %sub3A_29 = vector.broadcast %sub3A : i32 to vector<128x16xi32>
    %sub3A_30 = arith.subi %div3A_8, %sub3A_29 : vector<128x16xi32>
    %select_n3A = arith.select %and3A, %sub3A_30, %div3A_8 : vector<128x16xi1>, vector<128x16xi32>
    %eq3A = arith.cmpi eq, %select_n3A, %iota3A_7 : vector<128x16xi32>
    %jit3A_31 = arith.constant 8 : i32
    %eq3A_32 = arith.constant 0 : i32
    %eq3A_33 = arith.cmpi eq, %jit3A_31, %eq3A_32 : i32
    %jit3A_34 = arith.constant 1 : i32
    %select_n3A_35 = arith.select %eq3A_33, %jit3A_34, %jit3A_31 : i32
    %rem3A_36 = vector.broadcast %select_n3A_35 : i32 to vector<128x16xi32>
    %rem3A_37 = arith.remsi %iota3A, %rem3A_36 : vector<128x16xi32>
    %ne3A_38 = arith.constant 0 : i32
    %ne3A_39 = vector.broadcast %ne3A_38 : i32 to vector<128x16xi32>
    %ne3A_40 = arith.cmpi ne, %rem3A_37, %ne3A_39 : vector<128x16xi32>
    %lt3A = arith.constant 0 : i32
    %lt3A_41 = vector.broadcast %lt3A : i32 to vector<128x16xi32>
    %lt3A_42 = arith.cmpi slt, %rem3A_37, %lt3A_41 : vector<128x16xi32>
    %lt3A_43 = arith.constant 0 : i32
    %lt3A_44 = arith.cmpi slt, %select_n3A_35, %lt3A_43 : i32
    %ne3A_45 = vector.broadcast %lt3A_44 : i1 to vector<128x16xi1>
    %ne3A_46 = vector.broadcast %ne3A_45 : vector<128x16xi1> to vector<128x16xi1>
    %ne3A_47 = arith.xori %lt3A_42, %ne3A_46 : vector<128x16xi1>
    %and3A_48 = arith.andi %ne3A_47, %ne3A_40 : vector<128x16xi1>
    %add3A = vector.broadcast %select_n3A_35 : i32 to vector<128x16xi32>
    %add3A_49 = arith.addi %rem3A_37, %add3A : vector<128x16xi32>
    %select_n3A_50 = arith.select %and3A_48, %add3A_49, %rem3A_37 : vector<128x16xi1>, vector<128x16xi32>
    %shift_left3A = arith.constant 1 : i32
    %shift_left3A_51 = vector.broadcast %shift_left3A : i32 to vector<128x16xi32>
    %shift_left3A_52 = arith.shli %shift_left3A_51, %select_n3A_50 : vector<128x16xi32>
    %jit3A_53 = arith.constant 0 : i32
    %broadcast_in_dim3A = vector.broadcast %jit3A_53 : i32 to vector<128x16xi32>
    %select_n3A_54 = arith.select %eq3A, %shift_left3A_52, %broadcast_in_dim3A : vector<128x16xi1>, vector<128x16xi32>
    %convert_element_type3A_55 = arith.sitofp %select_n3A_54 : vector<128x16xi32> to vector<128x16xf32>
    %dot_general3A = arith.constant dense<0.000000e+00> : vector<1024x16xf32>
    %dot_general3A_56 = tpu.matmul %convert_element_type3A_6, %convert_element_type3A_55, %dot_general3A {dimension_numbers = #tpu.dot_dimension_numbers<[1], [0], [0], [1], [0, 0, 1, 1], [], []>, transpose_lhs_hint = false} : vector<1024x128xf32>, vector<128x16xf32>, vector<1024x16xf32> -> vector<1024x16xf32>
    %swap3A = arith.constant 0 : index
    %swap3A_57 = arith.constant 0 : index
    %swap3A_58 = vector.load %arg3[%swap3A, %swap3A_57] : memref<1024x16xf32, #tpu.memory_space<vmem>>, vector<1024x16xf32>
    tpu.vector_store %arg3[%swap3A, %swap3A_57], %dot_general3A_56 {strides = array<i32>} : memref<1024x16xf32, #tpu.memory_space<vmem>>, vector<1024x16xf32>,
    return
  }
  func.func @transform_0(%arg0: i32) -> (i32, i32) {
    %c0_i32 = arith.constant 0 : i32
    %c0_i32_0 = arith.constant 0 : i32
    %c0_i32_1 = arith.constant 0 : i32
    return %c0_i32, %c0_i32_0 : i32, i32
  }
  func.func @transform_1(%arg0: i32) -> (i32, i32) {
    %c0_i32 = arith.constant 0 : i32
    %c0_i32_0 = arith.constant 0 : i32
    return %arg0, %c0_i32 : i32, i32
  }
  func.func @transform_2(%arg0: i32) -> (i32, i32) {
    %c0_i32 = arith.constant 0 : i32
    %c0_i32_0 = arith.constant 0 : i32
    return %arg0, %c0_i32 : i32, i32
  }
}

</mosaic_0001>

<sc_bundles>
// kernel: kernel.4.cloned.1.call-start
scs
__scs_entry_jumppad:
0x0: {  	(pc) =	sbr.rel $0x88, $3  }
0x1: {  	(tag) =	ssettag $0x0;
	lr =	simm.s32 $0x1  }
0x2: {  	[smem:$0x3F9E] =	sst lr;
	_ =	strace $0xD0000000  }
0x3: {  	_ = 	snop  }
0x4: {  	_ = 	snop  }
0x5: {  	_ = 	snop  }
0x6: {  	_ = 	snop  }
0x7: {  	_ = 	snop  }
__scs_overlays_trampoline_lowered:
0x8: {  	[smem:$0x3FAD] =	sst s0  }
0x9: {  	[smem:$0x3FAE] =	sst s1  }
0xa: {  	[smem:$0x3FAF] =	sst s2  }
0xb: {  	[smem:$0x3FB0] =	sst s3  }
0xc: {  	[smem:$0x3FB1] =	sst s4  }
0xd: {  	[smem:$0x3FB2] =	sst s5  }
0xe: {  	[smem:$0x3FB3] =	sst s6  }
0xf: {  	[smem:$0x3FB4] =	sst s7  }
0x10: {  	[smem:$0x3FB5] =	sst s8  }
0x11: {  	[smem:$0x3FB6] =	sst s9;
	s0 =	simm.s32 @!p0 $0x0  }
0x12: {  	s1 =	sld [smem:$0x3F9C];
	s0 =	simm.s32 @p0 $0x1  }
0x13: {  	[smem:$0x3FB7] =	sst s0;
	s0 =	simm.s32 @!p1 $0x0  }
0x14: {  	s2 =	sld [smem:$0x3F9B];
	s0 =	simm.s32 @p1 $0x1  }
0x15: {  	[smem:$0x3FB8] =	sst s0;
	s0 =	simm.s32 @!p2 $0x0  }
0x16: {  	s3 =	sld [smem:$0x3FDB];
	s0 =	simm.s32 @p2 $0x1  }
0x17: {  	s4 =	simm.s32 $0x1BF5;
	[smem:$0x3FBA] =	sst s0  }
0x18: {  	s0 =	sld [smem:$0x3F9D];
	_ =	swait.ge [sflag:s4], $0x0  }
0x19: {  	s7 =	sld [smem:$0x3F9E]  }
0x1a: {  	s8 =	sadd.s32 $0xFFFFE003, lr  }
0x1b: {  	s9 =	sadd.s32 $0xFFFFFEF7, lr;
	s5 =	simm.s32 $0xFFFFFFFF;
	p2 =	slt.u32 s8, $0xFFFFF086  }
0x1c: {  	p1 =	slt.u32 s9, $0xF7A;
	s5 =	simm.s32 @!p2 $0x0  }
0x1d: {  	s5 =	simm.s32 @p1 $0x1;
	p0 =	seq.s32 s7, s2  }
0x1e: {  	s7 =	smul.u32 @!p0 $0xF7A, s2;
	p2 =	seq.s32 @!p0 s5, $0x0  }
0x1f: {  	s9 =	smul.u32 $0xF7A, s1;
	s8 =	simm.s32 @!p0 $0x1BF5;
	p2 =	por !p2, p0  }
0x20: {  	[sflag:s8] =	ssyncset.s32 @!p0 $0xFFFFF086;
	s6 =	sadd.s32 @!p0 s3, s7;
	s7 =	simm.s32 @!p0 $0x108  }
0x21: {  	s3 =	sadd.s32 s3, s9;
	s6 =	sadd.s32 @!p0 $0x88, s6;
	s7 =	simm.s32 @p2 $0x1082  }
0x22: {  	[simem:s7], [sflag:s8] =	dma.local @!p0 [hbm:s6], $0xF7A  }
0x23: {  	s9 =	sor.u32 $0xD0000000, s2;
	s6 =	simm.s32 $0x108;
	_ =	swait.ge @!p0 [sflag:s8], $0x0  }
0x24: {  	s3 =	sadd.s32 $0x88, s3;
	s6 =	simm.s32 @!p1 $0x1082;
	[sflag:s4] =	ssyncset.s32 $0xFFFFF086  }
0x25: {  	[simem:s6], [sflag:s4] =	dma.local [hbm:s3], $0xF7A  }
0x26: {  	[smem:$0x3F9E] =	sst s1;
	(tag) =	ssettag s2;
	_ =	strace s9  }
0x27: {  	s1 =	sld [smem:$0x3FAE]  }
0x28: {  	s2 =	sld [smem:$0x3FAF]  }
0x29: {  	s4 =	sld [smem:$0x3FB1]  }
0x2a: {  	p0 =	seq.s32 s5, $0x0;
	s5 =	sld [smem:$0x3FB2]  }
0x2b: {  	s6 =	sld [smem:$0x3FB3]  }
0x2c: {  	s7 =	sld [smem:$0x3FB4]  }
0x2d: {  	s3 =	simm.s32 $0x108;
	s8 =	sld [smem:$0x3FB5]  }
0x2e: {  	s3 =	simm.s32 @!p0 $0x1082;
	s9 =	sld [smem:$0x3FB6]  }
0x2f: {  	lr =	sadd.s32 s0, s3;
	s0 =	sld [smem:$0x3FAD]  }
0x30: {  	s3 =	sld [smem:$0x3FB0]  }
0x31: {  	[smem:$0x3FB9] =	sst s10  }
0x32: {  	s10 =	sld [smem:$0x3FB7];
	_ =	sdelay $0x3  }
0x33: {  	p0 =	seq.s32 s10, $0x1;
	s10 =	sld [smem:$0x3FB9];
	_ =	sdelay $0x3  }
0x34: {  	[smem:$0x3FB9] =	sst s10  }
0x35: {  	s10 =	sld [smem:$0x3FB8];
	_ =	sdelay $0x3  }
0x36: {  	p1 =	seq.s32 s10, $0x1;
	s10 =	sld [smem:$0x3FB9];
	_ =	sdelay $0x3  }
0x37: {  	[smem:$0x3FB9] =	sst s10  }
0x38: {  	s10 =	sld [smem:$0x3FBA]  }
0x39: {  	_ = 	snop;
	(pc) =	sbr.ind lr, $3  }
0x3a: {  	_ = 	snop  }
0x3b: {  	_ = 	snop  }
0x3c: {  	p2 =	seq.s32 s10, $0x1;
	s10 =	sld [smem:$0x3FB9]  }
0x3d: {  	_ =	shalt  }
0x3e: {  	_ =	shalt  }
0x3f: {  	_ =	shalt  }
0x40: {  	_ =	shalt  }
0x41: {  	_ =	shalt  }
0x42: {  	_ =	shalt  }
0x43: {  	_ =	shalt  }
0x44: {  	_ =	shalt  }
0x45: {  	_ =	shalt  }
0x46: {  	_ =	shalt  }
0x47: {  	_ =	shalt  }
0x48: {  	_ =	shalt  }
0x49: {  	_ =	shalt  }
0x4a: {  	_ =	shalt  }
0x4b: {  	_ =	shalt  }
0x4c: {  	_ =	shalt  }
0x4d: {  	_ =	shalt  }
0x4e: {  	_ =	shalt  }
0x4f: {  	_ =	shalt  }
0x50: {  	_ =	shalt  }
0x51: {  	_ =	shalt  }
0x52: {  	_ =	shalt  }
0x53: {  	_ =	shalt  }
0x54: {  	_ =	shalt  }
0x55: {  	_ =	shalt  }
0x56: {  	_ =	shalt  }
0x57: {  	_ =	shalt  }
0x58: {  	_ =	shalt  }
0x59: {  	_ =	shalt  }
0x5a: {  	_ =	shalt  }
0x5b: {  	_ =	shalt  }
0x5c: {  	_ =	shalt  }
0x5d: {  	_ =	shalt  }
0x5e: {  	_ =	shalt  }
0x5f: {  	_ =	shalt  }
0x60: {  	_ =	shalt  }
0x61: {  	_ =	shalt  }
0x62: {  	_ =	shalt  }
0x63: {  	_ =	shalt  }
0x64: {  	_ =	shalt  }
0x65: {  	_ =	shalt  }
0x66: {  	_ =	shalt  }
0x67: {  	_ =	shalt  }
0x68: {  	_ =	shalt  }
0x69: {  	_ =	shalt  }
0x6a: {  	_ =	shalt  }
0x6b: {  	_ =	shalt  }
0x6c: {  	_ =	shalt  }
0x6d: {  	_ =	shalt  }
0x6e: {  	_ =	shalt  }
0x6f: {  	_ =	shalt  }
0x70: {  	_ =	shalt  }
0x71: {  	_ =	shalt  }
0x72: {  	_ =	shalt  }
0x73: {  	_ =	shalt  }
0x74: {  	_ =	shalt  }
0x75: {  	_ =	shalt  }
0x76: {  	_ =	shalt  }
0x77: {  	_ =	shalt  }
0x78: {  	_ =	shalt  }
0x79: {  	_ =	shalt  }
0x7a: {  	_ =	shalt  }
0x7b: {  	_ =	shalt  }
0x7c: {  	_ =	shalt  }
0x7d: {  	_ =	shalt  }
0x7e: {  	_ =	shalt  }
0x7f: {  	_ =	shalt  }
0x80: {  	_ =	shalt  }
0x81: {  	_ =	shalt  }
0x82: {  	_ =	shalt  }
0x83: {  	_ =	shalt  }
0x84: {  	_ =	shalt  }
0x85: {  	_ =	shalt  }
0x86: {  	_ =	shalt  }
0x87: {  	_ =	shalt  }
.Lfunc_end0:
.L_simem_size_0:
called_computation_lowered:
.L_overlay_start_0:
0x88: {  	s2 =	sld [smem:$0x3FD9]  }
0x89: {  	s3 =	sld [smem:$0x3FFE];
	_ =	sdelay $0x1  }
0x8a: {  	s1 =	srdreg.scid  }
0x8b: {  	s0 =	sand.u32 $0x1, s1  }
0x8c: {  	s15 =	sshll.u32 s0, $0xA;
	s2 =	sadd.s32 s3, s2  }
0x8d: {  	s2 =	sadd.s32 s2, s15  }
0x8e: {  	[smem:$0x3FC5] =	sst s2  }
0x8f: {  	_ = 	snop  }
0x90: {  	s2 =	sld [smem:$0x3FD0]  }
0x91: {  	s16 =	sld [smem:$0x3FC9]  }
0x92: {  	s4 =	sld [smem:$0x3FC8]  }
0x93: {  	s6 =	simm.s32 $0xA;
	s7 =	simm.s32 $0x10;
	s5 =	sld [smem:$0x3FC7]  }
0x94: {  	[smem:s7], [sflag:s6] =	dma.local [hbm:s2], $0x1  }
0x95: {  	_ =	swait.eq [sflag:s6], $0x1  }
0x96: {  	[sflag:s6] =	ssyncset.done $0x0  }
0x97: {  	s17 =	sld [smem:$0x10];
	[sflag:s6] =	ssyncadd.s32 $0xFFFFFFFF  }
0x98: {  	s18 =	sld [smem:$0x12];
	(tm) =	ssettm $0x1  }
0x99: {  	s19 =	sld [smem:$0x3FFB];
	_ =	sdelay $0x3  }
0x9a: {  	_ =	strace s19  }
0x9b: {  	s7 =	sld [smem:$0x3FFC];
	_ =	sdelay $0x3  }
0x9c: {  	_ =	strace s7  }
0x9d: {  	s7 =	sld [smem:$0x3FFD];
	_ =	sdelay $0x3  }
0x9e: {  	_ =	strace s7  }
0x9f: {  	_ =	strace $0x8FFFFFFF  }
0xa0: {  	s20 =	sld [smem:$0x3FDB];
	_ =	sdelay $0x1  }
0xa1: {  	s8 =	simm.s32 $_scs_section_size  }
0xa2: {  	s9 =	simm.s32 $_size__tile_overlayer_lowered;
	s10 =	simm.s32 $_tile_overlayer_lowered  }
0xa3: {  	s23 =	simm.s32 $0x1BFF;
	s22 =	sshll.u32 s10, $0x1;
	s7 =	sadd.s32 s8, s20  }
0xa4: {  	s11 =	simm.s32 $0x0;
	s21 =	sshll.u32 s9, $0x1;
	s9 =	sadd.s32 s22, s7  }
0xa5: {  	[timem:s11], [sflag:s23] =	dma.local [hbm:s9], s21  }
0xa6: {  	_ =	swait.ge [sflag:s23], s21  }
0xa7: {  	s8 =	ssub.s32 $0x0, s21;
	[sflag:s23] =	ssyncset.done $0x0  }
0xa8: {  	[sflag:s23] =	ssyncadd.s32 s8;
	_ =	sdelay $0x1  }
0xa9: {  	s24 =	simm.s32 $0x1B8B  }
0xaa: {  	_ =	swait.ge [sflag:s24], $0x1  }
0xab: {  	[sflag:s24] =	ssyncset.done $0x0  }
0xac: {  	s25 =	simm.s32 $0x1B8E;
	[sflag:s24] =	ssyncadd.s32 $0xFFFFFFFF  }
0xad: {  	s26 =	simm.s32 $execute0_lowered;
	[smem:$0x3FD2] =	sst s25  }
0xae: {  	s8 =	sshll.u32 s26, $0x1;
	_ =	strace $0x80000046;
	[dreg:$0x1] =	wrdreg $0xFFFFFFFF  }
0xaf: {  	s28 =	simm.s32 $_size_execute0_lowered;
	s7 =	sadd.s32 s7, s8;
	[dreg:$0x0] =	wrdreg $0x0  }
0xb0: {  	s8 =	sshll.u32 s28, $0x1;
	[dreg:$0x2] =	wrdreg s7  }
0xb1: {  	[dreg:$0x3] =	wrdreg s8  }
0xb2: {  	[dreg:$0x4] =	wrdreg $0xC0  }
0xb3: {  	_ =	task [dreg:s11], $0x5FFFF  }
0xb4: {  	[dreg:$0x1] =	wrdreg $0xFFFFFFFF  }
0xb5: {  	[dreg:$0x0] =	wrdreg $0x60  }
0xb6: {  	[dreg:$0x2] =	wrdreg s4  }
0xb7: {  	[dreg:$0x3] =	wrdreg s5  }
0xb8: {  	[dreg:$0x4] =	wrdreg s16  }
0xb9: {  	[dreg:$0x5] =	wrdreg s17  }
0xba: {  	[dreg:$0x6] =	wrdreg s18  }
0xbb: {  	[dreg:$0x7] =	wrdreg $0x9  }
0xbc: {  	_ =	task.clear_ibuf [dreg:s11], $0x8FFFF;
	_ =	strace $0x90000046  }
0xbd: {  	s29 =	simm.s32 $0x9;
	_ =	strace $0x80000048  }
0xbe: {  	_ =	swait.ge [sflag:s29], $0x1  }
0xbf: {  	[sflag:s29] =	ssyncadd.s32 $0xFFFFFFFF  }
0xc0: {  	_ =	strace $0x90000048  }
0xc1: {  	_ =	sfence  }
0xc2: {  	s30 =	sld [smem:$0x0];
	_ =	sdelay $0x2  }
0xc3: {  	s31 =	sshll.u32 s1, $0xD;
	s1 =	sshrl.u32 s1, $0x2  }
0xc4: {  	s3 =	sand.u32 $0x4000, s31;
	s1 =	sadd.s32 s1, s30  }
0xc5: {  	s0 =	sor.u32 s3, s0;
	s1 =	sshll.u32 s1, $0x11  }
0xc6: {  	s0 =	sor.u32 s1, s0  }
0xc7: {  	s0 =	sadd.s32 $0x8F2B, s0  }
0xc8: {  	[sflag:s0] =	ssyncadd.remote.s32 $0x1  }
0xc9: {  	_ =	sfence.sel $0xFFFF  }
0xca: {  	[dreg:$0x0] =	wrdreg $0xFFFFFFFF;
	(pc) =	sbr.abs _section_cstart, $3  }
0xcb: {  	[dreg:$0x1] =	wrdreg $0xFFFFFFFF  }
0xcc: {  	_ =	task.clear_ibuf [dreg:s11], $0x2FFFF;
	_ =	strace $0x9FFFFFFF  }
0xcd: {  	(tm) =	ssettm $0x7FFFFFFF  }
tec
execute0_lowered:
.L_overlay_start_1:
0x0: {  	(tag) =	ssettag $0x1  }
0x1: {  	s1 =	rddreg [dreg:$0x0]  }
0x2: {  	s2 =	rddreg [dreg:$0x1]  }
0x3: {  	s3 =	rddreg [dreg:$0x2]  }
0x4: {  	s4 =	rddreg [dreg:$0x3]  }
0x5: {  	s0 =	rddreg [dreg:$0x4];
	s5 =	srdreg.scid  }
0x6: {  	s6 =	simm.s32 $0x0;
	s30 =	stileid.u32;
	s12 =	simm.s32 $0x80  }
0x7: {  	s13 =	simm.s32 $0x100;
	s14 =	simm.s32 $0x14000;
	s15 =	simm.s32 $0x12000  }
0x8: {  	s16 =	simm.s32 $0x16000;
	s17 =	simm.s32 $0x1;
	s18 =	simm.s32 $0x2  }
0x9: {  	s19 =	simm.s32 $0x18000;
	s20 =	simm.s32 $0x3;
	s23 =	simm.s32 $0x0  }
0xa: {  	s7 =	sand.u32 $0x1, s5;
	[smem:$0x7FF] =	sst s6;
	s10 =	sshll.u32 s30, $0x1  }
0xb: {  	s8 =	ssub.s32 $0x2, s7;
	_ =	strace $0x80000047;
	s21 =	sor.u32 s7, s10  }
0xc: {  	s9 =	sshrl.u32 s8, $0x1;
	s7 =	sshll.u32 s21, $0x10;
	s31 =	sshll.u32 s21, $0x4  }
0xd: {  	v0 =	vmov s21;
	s21 =	simm.s32 $0x19000;
	s11 =	ssub.s32 s8, s9;
	s8 =	sadd.s32 $0x10, s2  }
0xe: {  	v1 =	vimm.f32 $-1.000000000e+00;
	v2 =	vimm.f32 $0.0e+00;
	s9 =	sadd.s32 s0, s31;
	s10 =	smax.u32 s11, $0x1;
	s11 =	simm.s32 $0x10000  }
.LBB2_1:
0xf: {  	s0 =	simm.s32 $0x40;
	s24 =	simm.s32 $0x0  }
.LBB2_2:
0x10: {  	p0 =	sne.s32 s0, $0x3FFC0;
	[tilespmem:s24+$0x0] =	vst v1;
	s24 =	smov.u32 s0;
	s0 =	sadd.s32 $0x40, s0  }
.Ltmp0:
0x11: {  	(pc) =	sbr.rel @p0 .LBB2_2-.Ltmp0, $2  }
0x12: {  	_ =	sdelay $0x2  }
0x13: {  	s24 =	sshra.s32 s24, $0x2  }
0x14: {  	[tilespmem:s24+$0x0] =	vst v1;
	s24 =	simm.s32 $0x0  }
0x15: {  	[tilespmem:s11], [sflag:$0x1] =	stream.linear.gather [hbm4b:s1+s24], $0x2000, $0x38;
	[tilespmem:$0x1A080] =	vst v63  }
0x16: {  	s25 =	simm.s32 $0x0  }
0x17: {  	[tilespmem:s14], [sflag:$0x1] =	stream.strided.gather [hbm4b:s2+s12], $0x2000, s13, s12, $0x38;
	[tilespmem:$0x1A080] =	vst v63  }
.LBB2_4:
0x18: {  	s0 =	sshllo.u32 s25, $0x1  }
0x19: {  	s26 =	sshll.u32 s0, $0xA  }
0x1a: {  	s0 =	sshll.u32 s0, $0xB;
	s26 =	sadd.s32 s1, s26  }
0x1b: {  	[tilespmem:s15], [sflag:$0x2] =	stream.linear.gather [hbm4b:s26+s24], $0x2000, $0x38;
	[tilespmem:$0x1A080] =	vst v63  }
0x1c: {  	s0 =	sadd.s32 s2, s0  }
0x1d: {  	[tilespmem:s16], [sflag:$0x2] =	stream.strided.gather [hbm4b:s0+s12], $0x2000, s13, s12, $0x38;
	[tilespmem:$0x1A080] =	vst v63  }
0x1e: {  	_ =	swait.ge [sflag:s17], $0x2000  }
0x1f: {  	[sflag:s17] =	ssyncset.done $0x0  }
0x20: {  	[sflag:s17] =	ssyncadd.s32 $0xFFFFE000  }
0x21: {  	_ =	swait.ge [sflag:s17], $0x2000  }
0x22: {  	[sflag:s17] =	ssyncset.done $0x0  }
0x23: {  	s31 =	simm.s32 $0x0;
	[sflag:s17] =	ssyncadd.s32 $0xFFFFE000  }
0x24: {  	v9 =	vld [tilespmem:s31+$0x10040]  }
0x25: {  	v8 =	vld [tilespmem:s31+$0x10030]  }
0x26: {  	v5 =	vld [tilespmem:s31+$0x10020]  }
0x27: {  	v3 =	vld [tilespmem:s31+$0x10000]  }
0x28: {  	v4 =	vld [tilespmem:s31+$0x10010]  }
0x29: {  	v10 =	vld [tilespmem:s31+$0x10050]  }
0x2a: {  	v11 =	vld [tilespmem:s31+$0x10060]  }
0x2b: {  	v12 =	vld [tilespmem:s31+$0x10070]  }
0x2c: {  	v13 =	vld [tilespmem:s31+$0x14000];
	v6 =	vshra.s32 v3, $0x10  }
0x2d: {  	v14 =	vld [tilespmem:s31+$0x14010];
	vm1 =	veq.s32 v6, v0  }
0x2e: {  	v15 =	vld [tilespmem:s31+$0x14020];
	v16 =	vand.u32 $0xFFFF, v3  }
0x2f: {  	v7 =	vshra.s32 v4, $0x10;
	v3 =	vld [tilespmem:s31+$0x14030]  }
0x30: {  	v17 =	vand.u32 $0xFFFF, v4;
	v4 =	vld [tilespmem:s31+$0x14040];
	v6 =	vshra.s32 v5, $0x10;
	vm4 =	veq.s32 v7, v0  }
0x31: {  	v18 =	vand.u32 $0xFFFF, v5;
	v5 =	vld [tilespmem:s31+$0x14060];
	vm5 =	veq.s32 v6, v0;
	v6 =	vshra.s32 v8, $0x10  }
0x32: {  	v19 =	vshra.s32 v9, $0x10;
	v7 =	vld [tilespmem:s31+$0x14050];
	vm0 =	veq.s32 v6, v0  }
0x33: {  	v20 =	vshra.s32 v10, $0x10;
	v8 =	vand.u32 $0xFFFF, v8;
	v6 =	vld [tilespmem:s31+$0x14070];
	[tilespmem:v16+s6+$0x0] =	vst.idx.msk vm1, v13;
	vm1 =	veq.s32 v19, v0  }
0x34: {  	v21 =	vshra.s32 v11, $0x10;
	v9 =	vand.u32 $0xFFFF, v9;
	vm2 =	veq.s32 v20, v0  }
0x35: {  	v22 =	vshra.s32 v12, $0x10;
	v10 =	vand.u32 $0xFFFF, v10;
	vm3 =	veq.s32 v21, v0  }
0x36: {  	v11 =	vand.u32 $0xFFFF, v11;
	[tilespmem:v17+s6+$0x0] =	vst.idx.msk vm4, v14;
	vm4 =	veq.s32 v22, v0  }
0x37: {  	s28 =	simm.s32 $0x200;
	s26 =	sshll.u32 s25, $0x1;
	v12 =	vand.u32 $0xFFFF, v12;
	[tilespmem:v18+s6+$0x0] =	vst.idx.msk vm5, v15  }
.LBB2_5:
0x38: {  	p0 =	sne.s32 s28, $0x7E00;
	[tilespmem:v8+s6+$0x0] =	vst.idx.msk vm0, v3;
	s0 =	smov.u32 s28;
	s28 =	sadd.s32 $0x200, s28  }
0x39: {  	[tilespmem:v9+s6+$0x0] =	vst.idx.msk vm1, v4  }
0x3a: {  	[tilespmem:v10+s6+$0x0] =	vst.idx.msk vm2, v7  }
0x3b: {  	[tilespmem:v11+s6+$0x0] =	vst.idx.msk vm3, v5  }
0x3c: {  	s0 =	sshra.s32 s0, $0x2;
	[tilespmem:v12+s6+$0x0] =	vst.idx.msk vm4, v6  }
0x3d: {  	v6 =	vld [tilespmem:s0+$0x10040]  }
0x3e: {  	v7 =	vld [tilespmem:s0+$0x10030]  }
0x3f: {  	v5 =	vld [tilespmem:s0+$0x10020]  }
0x40: {  	v4 =	vld [tilespmem:s0+$0x10010]  }
0x41: {  	v3 =	vld [tilespmem:s0+$0x10000]  }
0x42: {  	v10 =	vld [tilespmem:s0+$0x10050];
	v9 =	vshra.s32 v6, $0x10  }
0x43: {  	v11 =	vld [tilespmem:s0+$0x10060];
	v8 =	vshra.s32 v7, $0x10  }
0x44: {  	v12 =	vld [tilespmem:s0+$0x10070];
	v13 =	vshra.s32 v5, $0x10  }
0x45: {  	v14 =	vld [tilespmem:s0+$0x14000];
	v15 =	vshra.s32 v4, $0x10  }
0x46: {  	vm0 =	veq.s32 v8, v0;
	v16 =	vld [tilespmem:s0+$0x14010];
	v17 =	vshra.s32 v3, $0x10  }
0x47: {  	vm5 =	veq.s32 v15, v0;
	v18 =	vld [tilespmem:s0+$0x14020];
	vm4 =	veq.s32 v17, v0;
	v17 =	vand.u32 $0xFFFF, v3  }
0x48: {  	vm6 =	veq.s32 v13, v0;
	v15 =	vand.u32 $0xFFFF, v4;
	v13 =	vshra.s32 v10, $0x10;
	v3 =	vld [tilespmem:s0+$0x14030]  }
0x49: {  	v19 =	vand.u32 $0xFFFF, v5;
	v20 =	vshra.s32 v11, $0x10;
	v4 =	vld [tilespmem:s0+$0x14040];
	v21 =	vshra.s32 v12, $0x10  }
0x4a: {  	vm1 =	veq.s32 v9, v0;
	v8 =	vand.u32 $0xFFFF, v7;
	v5 =	vld [tilespmem:s0+$0x14060]  }
.Ltmp1:
0x4b: {  	v9 =	vand.u32 $0xFFFF, v6;
	vm2 =	veq.s32 v13, v0;
	v7 =	vld [tilespmem:s0+$0x14050];
	(pc) =	sbr.rel @p0 .LBB2_5-.Ltmp1, $4  }
0x4c: {  	v10 =	vand.u32 $0xFFFF, v10;
	vm3 =	veq.s32 v20, v0;
	v6 =	vld [tilespmem:s0+$0x14070]  }
0x4d: {  	v11 =	vand.u32 $0xFFFF, v11;
	[tilespmem:v17+s6+$0x0] =	vst.idx.msk vm4, v14;
	vm4 =	veq.s32 v21, v0  }
0x4e: {  	v12 =	vand.u32 $0xFFFF, v12;
	[tilespmem:v15+s6+$0x0] =	vst.idx.msk vm5, v16  }
0x4f: {  	[tilespmem:v19+s6+$0x0] =	vst.idx.msk vm6, v18  }
0x50: {  	_ =	sdelay $0x4  }
0x51: {  	[tilespmem:v8+s6+$0x0] =	vst.idx.msk vm0, v3  }
0x52: {  	p0 =	seq.s32 s25, $0x7F;
	[tilespmem:v9+s6+$0x0] =	vst.idx.msk vm1, v4  }
0x53: {  	s0 =	sadd.s32 @!p0 $0x2, s26;
	[tilespmem:v10+s6+$0x0] =	vst.idx.msk vm2, v7  }
0x54: {  	s28 =	simm.s32 @!p0 $0x0;
	s26 =	sshll.u32 @!p0 s0, $0xA;
	s0 =	sshll.u32 @!p0 s0, $0xB;
	[tilespmem:v11+s6+$0x0] =	vst.idx.msk vm3, v5  }
0x55: {  	s29 =	simm.s32 @!p0 $0x10000;
	s26 =	sadd.s32 @!p0 s1, s26;
	s0 =	sadd.s32 @!p0 s2, s0;
	[tilespmem:v12+s6+$0x0] =	vst.idx.msk vm4, v6  }
0x56: {  	[tilespmem:s29], [sflag:$0x1] =	stream.linear.gather @!p0 [hbm4b:s26+s28], $0x2000, $0x38;
	[tilespmem:$0x1A080] =	vst v63  }
0x57: {  	s26 =	simm.s32 @!p0 $0x80;
	s28 =	simm.s32 @!p0 $0x100;
	s29 =	simm.s32 @!p0 $0x14000  }
0x58: {  	[tilespmem:s29], [sflag:$0x1] =	stream.strided.gather @!p0 [hbm4b:s0+s26], $0x2000, s28, s26, $0x38;
	[tilespmem:$0x1A080] =	vst v63  }
0x59: {  	_ =	swait.ge [sflag:s18], $0x2000  }
0x5a: {  	[sflag:s18] =	ssyncset.done $0x0  }
0x5b: {  	[sflag:s18] =	ssyncadd.s32 $0xFFFFE000  }
0x5c: {  	_ =	swait.ge [sflag:s18], $0x2000  }
0x5d: {  	[sflag:s18] =	ssyncset.done $0x0  }
0x5e: {  	s31 =	simm.s32 $0x0;
	[sflag:s18] =	ssyncadd.s32 $0xFFFFE000  }
0x5f: {  	v9 =	vld [tilespmem:s31+$0x12040]  }
0x60: {  	v8 =	vld [tilespmem:s31+$0x12030]  }
0x61: {  	v5 =	vld [tilespmem:s31+$0x12020]  }
0x62: {  	v3 =	vld [tilespmem:s31+$0x12000]  }
0x63: {  	v4 =	vld [tilespmem:s31+$0x12010]  }
0x64: {  	v10 =	vld [tilespmem:s31+$0x12050]  }
0x65: {  	v11 =	vld [tilespmem:s31+$0x12060]  }
0x66: {  	v12 =	vld [tilespmem:s31+$0x12070]  }
0x67: {  	v13 =	vld [tilespmem:s31+$0x16000];
	v6 =	vshra.s32 v3, $0x10  }
0x68: {  	v14 =	vld [tilespmem:s31+$0x16010];
	vm1 =	veq.s32 v6, v0  }
0x69: {  	v15 =	vld [tilespmem:s31+$0x16020];
	v16 =	vand.u32 $0xFFFF, v3  }
0x6a: {  	v7 =	vshra.s32 v4, $0x10;
	v3 =	vld [tilespmem:s31+$0x16030]  }
0x6b: {  	v17 =	vand.u32 $0xFFFF, v4;
	v4 =	vld [tilespmem:s31+$0x16040];
	v6 =	vshra.s32 v5, $0x10;
	vm4 =	veq.s32 v7, v0  }
0x6c: {  	v18 =	vand.u32 $0xFFFF, v5;
	v5 =	vld [tilespmem:s31+$0x16060];
	vm5 =	veq.s32 v6, v0;
	v6 =	vshra.s32 v8, $0x10  }
0x6d: {  	v19 =	vshra.s32 v9, $0x10;
	v7 =	vld [tilespmem:s31+$0x16050];
	vm0 =	veq.s32 v6, v0  }
0x6e: {  	v20 =	vshra.s32 v10, $0x10;
	v8 =	vand.u32 $0xFFFF, v8;
	v6 =	vld [tilespmem:s31+$0x16070];
	[tilespmem:v16+s6+$0x0] =	vst.idx.msk vm1, v13;
	vm1 =	veq.s32 v19, v0  }
0x6f: {  	v21 =	vshra.s32 v11, $0x10;
	v9 =	vand.u32 $0xFFFF, v9;
	vm2 =	veq.s32 v20, v0  }
0x70: {  	v22 =	vshra.s32 v12, $0x10;
	v10 =	vand.u32 $0xFFFF, v10;
	vm3 =	veq.s32 v21, v0  }
0x71: {  	v11 =	vand.u32 $0xFFFF, v11;
	[tilespmem:v17+s6+$0x0] =	vst.idx.msk vm4, v14;
	vm4 =	veq.s32 v22, v0  }
0x72: {  	s26 =	simm.s32 $0x200;
	v12 =	vand.u32 $0xFFFF, v12;
	[tilespmem:v18+s6+$0x0] =	vst.idx.msk vm5, v15  }
.LBB2_7:
0x73: {  	p0 =	sne.s32 s26, $0x7E00;
	[tilespmem:v8+s6+$0x0] =	vst.idx.msk vm0, v3;
	s0 =	smov.u32 s26;
	s26 =	sadd.s32 $0x200, s26  }
0x74: {  	[tilespmem:v9+s6+$0x0] =	vst.idx.msk vm1, v4  }
0x75: {  	[tilespmem:v10+s6+$0x0] =	vst.idx.msk vm2, v7  }
0x76: {  	[tilespmem:v11+s6+$0x0] =	vst.idx.msk vm3, v5  }
0x77: {  	s0 =	sshra.s32 s0, $0x2;
	[tilespmem:v12+s6+$0x0] =	vst.idx.msk vm4, v6  }
0x78: {  	v6 =	vld [tilespmem:s0+$0x12040]  }
0x79: {  	v7 =	vld [tilespmem:s0+$0x12030]  }
0x7a: {  	v5 =	vld [tilespmem:s0+$0x12020]  }
0x7b: {  	v4 =	vld [tilespmem:s0+$0x12010]  }
0x7c: {  	v3 =	vld [tilespmem:s0+$0x12000]  }
0x7d: {  	v10 =	vld [tilespmem:s0+$0x12050];
	v9 =	vshra.s32 v6, $0x10  }
0x7e: {  	v11 =	vld [tilespmem:s0+$0x12060];
	v8 =	vshra.s32 v7, $0x10  }
0x7f: {  	v12 =	vld [tilespmem:s0+$0x12070];
	v13 =	vshra.s32 v5, $0x10  }
0x80: {  	v14 =	vld [tilespmem:s0+$0x16000];
	v15 =	vshra.s32 v4, $0x10  }
0x81: {  	vm0 =	veq.s32 v8, v0;
	v16 =	vld [tilespmem:s0+$0x16010];
	v17 =	vshra.s32 v3, $0x10  }
0x82: {  	vm5 =	veq.s32 v15, v0;
	v18 =	vld [tilespmem:s0+$0x16020];
	vm4 =	veq.s32 v17, v0;
	v17 =	vand.u32 $0xFFFF, v3  }
0x83: {  	vm6 =	veq.s32 v13, v0;
	v15 =	vand.u32 $0xFFFF, v4;
	v13 =	vshra.s32 v10, $0x10;
	v3 =	vld [tilespmem:s0+$0x16030]  }
0x84: {  	v19 =	vand.u32 $0xFFFF, v5;
	v20 =	vshra.s32 v11, $0x10;
	v4 =	vld [tilespmem:s0+$0x16040];
	v21 =	vshra.s32 v12, $0x10  }
0x85: {  	vm1 =	veq.s32 v9, v0;
	v8 =	vand.u32 $0xFFFF, v7;
	v5 =	vld [tilespmem:s0+$0x16060]  }
.Ltmp2:
0x86: {  	v9 =	vand.u32 $0xFFFF, v6;
	vm2 =	veq.s32 v13, v0;
	v7 =	vld [tilespmem:s0+$0x16050];
	(pc) =	sbr.rel @p0 .LBB2_7-.Ltmp2, $4  }
0x87: {  	v10 =	vand.u32 $0xFFFF, v10;
	vm3 =	veq.s32 v20, v0;
	v6 =	vld [tilespmem:s0+$0x16070]  }
0x88: {  	v11 =	vand.u32 $0xFFFF, v11;
	[tilespmem:v17+s6+$0x0] =	vst.idx.msk vm4, v14;
	vm4 =	veq.s32 v21, v0  }
0x89: {  	v12 =	vand.u32 $0xFFFF, v12;
	[tilespmem:v15+s6+$0x0] =	vst.idx.msk vm5, v16  }
0x8a: {  	[tilespmem:v19+s6+$0x0] =	vst.idx.msk vm6, v18  }
0x8b: {  	_ =	sdelay $0x2  }
0x8c: {  	s25 =	sadd.s32 $0x1, s25  }
0x8d: {  	p0 =	seq.s32 s25, $0x80  }
.Ltmp3:
0x8e: {  	[tilespmem:v8+s6+$0x0] =	vst.idx.msk vm0, v3;
	(pc) =	sbr.rel @!p0 .LBB2_4-.Ltmp3, $4  }
0x8f: {  	[tilespmem:v9+s6+$0x0] =	vst.idx.msk vm1, v4  }
0x90: {  	[tilespmem:v10+s6+$0x0] =	vst.idx.msk vm2, v7  }
0x91: {  	[tilespmem:v11+s6+$0x0] =	vst.idx.msk vm3, v5  }
0x92: {  	[tilespmem:v12+s6+$0x0] =	vst.idx.msk vm4, v6  }
0x93: {  	s24 =	simm.s32 $0x0;
	v3 =	vimm.f32 $0.0e+00;
	v4 =	vimm.f32 $0.0e+00  }
.LBB2_10:
0x94: {  	s26 =	sshll.u32 s24, $0xC  }
0x95: {  	s0 =	sor.u32 s7, s26  }
0x96: {  	s25 =	sshrl.u32 s0, $0x2  }
0x97: {  	s0 =	sadd.s32 s3, s25  }
0x98: {  	[tilespmem:s19], [sflag:$0x3] =	stream.strided.gather [hbm4b:s0+s12], $0x1000, s13, s12, $0x38;
	[tilespmem:$0x1A080] =	vst v63  }
0x99: {  	_ =	swait.ge [sflag:s20], $0x1000  }
0x9a: {  	s5 =	simm.s32 $0x0;
	[sflag:s20] =	ssyncset.done $0x0  }
0x9b: {  	s28 =	simm.s32 $0x18020;
	s29 =	sand.u32 $0xF80, s5;
	[sflag:s20] =	ssyncadd.s32 $0xFFFFF000  }
0x9c: {  	s30 =	sadd.s32 s29, s26;
	s0 =	sand.u32 $0x40, s5;
	v5 =	vld [tilespmem:s28+$0xFFFFFFE0]  }
0x9d: {  	s0 =	sadd.s32 s0, s30  }
0x9e: {  	v6 =	vld [tilespmem:s0+$0x0];
	_ =	sdelay $0x2  }
0x9f: {  	v7 =	vmul.f32 $9.499999880e-01, v5;
	_ =	sdelay $0x1  }
0xa0: {  	vm0 =	vge.f32 v5, $0.0e+00;
	v6 =	vmax.f32 v7, v6  }
0xa1: {  	s29 =	simm.s32 $0x19020;
	v5 =	vsel vm0, v6, v5  }
0xa2: {  	s22 =	simm.s32 $0x10;
	[tilespmem:s29+$0xFFFFFFE0] =	vst v5  }
0xa3: {  	s0 =	sand.u32 $0x50, s22;
	v5 =	vld [tilespmem:s28+$0xFFFFFFF0]  }
0xa4: {  	s0 =	sadd.s32 s0, s30  }
0xa5: {  	v7 =	vld [tilespmem:s0+$0x0];
	_ =	sdelay $0x2  }
0xa6: {  	v8 =	vmul.f32 $9.499999880e-01, v5;
	_ =	sdelay $0x1  }
0xa7: {  	vm1 =	vge.f32 v5, $0.0e+00;
	v7 =	vmax.f32 v8, v7  }
0xa8: {  	v5 =	vsel vm1, v7, v5  }
0xa9: {  	s5 =	simm.s32 $0x20;
	[tilespmem:s29+$0xFFFFFFF0] =	vst v5  }
0xaa: {  	s0 =	sand.u32 $0x60, s5;
	v5 =	vld [tilespmem:s28+$0x0]  }
0xab: {  	s0 =	sadd.s32 s0, s30  }
0xac: {  	v8 =	vld [tilespmem:s0+$0x0];
	_ =	sdelay $0x2  }
0xad: {  	v9 =	vmul.f32 $9.499999880e-01, v5;
	_ =	sdelay $0x1  }
0xae: {  	vm2 =	vge.f32 v5, $0.0e+00;
	v8 =	vmax.f32 v9, v8  }
0xaf: {  	v5 =	vsel vm2, v8, v5  }
0xb0: {  	[tilespmem:s29+$0x0] =	vst v5;
	v5 =	vnsel vm0, $0x0, v6  }
0xb1: {  	v63 =	vsel vm0, $0x3F800000, v2;
	v4 =	vadd.f32 v5, v4  }
0xb2: {  	s22 =	simm.s32 $0x30;
	v3 =	vadd.f32 v63, v3;
	v5 =	vnsel vm1, $0x0, v7  }
0xb3: {  	s0 =	sand.u32 $0x70, s22;
	v6 =	vld [tilespmem:s28+$0x10];
	v7 =	vsel vm1, $0x3F800000, v2;
	v4 =	vadd.f32 v5, v4  }
0xb4: {  	s0 =	sadd.s32 s0, s30;
	v5 =	vadd.f32 v7, v3;
	v3 =	vnsel vm2, $0x0, v8  }
0xb5: {  	v3 =	vadd.f32 v3, v4;
	v4 =	vld [tilespmem:s0+$0x0];
	_ =	sdelay $0x1  }
0xb6: {  	v7 =	vsel vm2, $0x3F800000, v2  }
0xb7: {  	v5 =	vadd.f32 v7, v5;
	v7 =	vmul.f32 $9.499999880e-01, v6  }
0xb8: {  	s31 =	simm.s32 $0x70;
	s30 =	simm.s32 $0x0  }
.LBB2_11:
0xb9: {  	s0 =	sadd.s32 $0xFFFFFFD0, s31;
	vm0 =	vge.f32 v6, $0.0e+00;
	v4 =	vmax.f32 v7, v4  }
0xba: {  	s30 =	sadd.s32 $0x4, s30;
	s28 =	sadd.s32 $0x40, s28;
	s5 =	sand.u32 $0xF80, s0;
	v6 =	vsel vm0, v4, v6;
	v4 =	vnsel vm0, $0x0, v4;
	v7 =	vsel vm0, $0x3F800000, v2  }
0xbb: {  	s22 =	sand.u32 $0x40, s0;
	p0 =	slt.u32 s30, $0xFC;
	s0 =	sadd.s32 s5, s26;
	[tilespmem:s29+$0x10] =	vst v6;
	v3 =	vadd.f32 v4, v3;
	v4 =	vadd.f32 v7, v5  }
0xbc: {  	v5 =	vld [tilespmem:s28+$0xFFFFFFE0];
	s5 =	sadd.s32 s22, s0  }
0xbd: {  	v6 =	vld [tilespmem:s5+$0x0];
	_ =	sdelay $0x3  }
0xbe: {  	v7 =	vmul.f32 $9.499999880e-01, v5;
	_ =	sdelay $0x1  }
0xbf: {  	vm0 =	vge.f32 v5, $0.0e+00;
	v6 =	vmax.f32 v7, v6  }
0xc0: {  	s29 =	sadd.s32 $0x40, s29;
	v7 =	vsel vm0, $0x3F800000, v2;
	v5 =	vsel vm0, v6, v5;
	v6 =	vnsel vm0, $0x0, v6  }
0xc1: {  	s5 =	sadd.s32 $0xFFFFFFE0, s31;
	v4 =	vadd.f32 v7, v4;
	[tilespmem:s29+$0xFFFFFFE0] =	vst v5;
	v3 =	vadd.f32 v6, v3  }
0xc2: {  	s5 =	sand.u32 $0x50, s5;
	v5 =	vld [tilespmem:s28+$0xFFFFFFF0]  }
0xc3: {  	s5 =	sadd.s32 s5, s0  }
0xc4: {  	v6 =	vld [tilespmem:s5+$0x0];
	_ =	sdelay $0x2  }
0xc5: {  	v7 =	vmul.f32 $9.499999880e-01, v5;
	_ =	sdelay $0x1  }
0xc6: {  	vm0 =	vge.f32 v5, $0.0e+00;
	v6 =	vmax.f32 v7, v6  }
0xc7: {  	v7 =	vsel vm0, $0x3F800000, v2;
	v5 =	vsel vm0, v6, v5;
	v6 =	vnsel vm0, $0x0, v6  }
0xc8: {  	s5 =	sadd.s32 $0xFFFFFFF0, s31;
	v4 =	vadd.f32 v7, v4;
	[tilespmem:s29+$0xFFFFFFF0] =	vst v5;
	v3 =	vadd.f32 v6, v3  }
0xc9: {  	s5 =	sand.u32 $0x60, s5;
	v5 =	vld [tilespmem:s28+$0x0]  }
0xca: {  	s5 =	sadd.s32 s5, s0  }
0xcb: {  	v6 =	vld [tilespmem:s5+$0x0];
	_ =	sdelay $0x2  }
0xcc: {  	v7 =	vmul.f32 $9.499999880e-01, v5;
	_ =	sdelay $0x1  }
0xcd: {  	vm0 =	vge.f32 v5, $0.0e+00;
	v6 =	vmax.f32 v7, v6  }
0xce: {  	v7 =	vsel vm0, $0x3F800000, v2;
	v5 =	vsel vm0, v6, v5;
	v6 =	vnsel vm0, $0x0, v6  }
0xcf: {  	s5 =	sand.u32 $0x70, s31;
	[tilespmem:s29+$0x0] =	vst v5;
	v3 =	vadd.f32 v6, v3;
	v5 =	vadd.f32 v7, v4  }
0xd0: {  	s0 =	sadd.s32 s5, s0;
	v6 =	vld [tilespmem:s28+$0x10]  }
0xd1: {  	v4 =	vld [tilespmem:s0+$0x0]  }
.Ltmp4:
0xd2: {  	(pc) =	sbr.rel @p0 .LBB2_11-.Ltmp4, $3  }
0xd3: {  	_ =	sdelay $0x1  }
0xd4: {  	v7 =	vmul.f32 $9.499999880e-01, v6  }
0xd5: {  	s31 =	sadd.s32 $0x40, s31  }
0xd6: {  	vm0 =	vge.f32 v6, $0.0e+00;
	v4 =	vmax.f32 v7, v4;
	s24 =	sadd.s32 $0x1, s24  }
0xd7: {  	v6 =	vsel vm0, v4, v6;
	p0 =	sne.s32 s24, $0x10  }
.Ltmp5:
0xd8: {  	s0 =	sadd.s32 s4, s25;
	[tilespmem:s29+$0x10] =	vst v6;
	(pc) =	sbr.rel @p0 .LBB2_10-.Ltmp5, $4  }
0xd9: {  	[hbm4b:s0+s12] =	stream.strided.scatter [tilespmem:s21], [sflag:$0x3], $0x1000, s13, s12, $0x38;
	[tilespmem:$0x1A080] =	vst v63  }
0xda: {  	_ =	swait.ge [sflag:s20], $0x1000  }
0xdb: {  	v4 =	vnsel vm0, $0x0, v4;
	v6 =	vsel vm0, $0x3F800000, v2;
	[sflag:s20] =	ssyncset.done $0x0  }
0xdc: {  	v4 =	vadd.f32 v4, v3;
	v3 =	vadd.f32 v6, v5;
	[sflag:s20] =	ssyncadd.s32 $0xFFFFF000  }
0xdd: {  	s0 =	simm.s32 $0x40;
	s24 =	simm.s32 $0x0  }
.LBB2_14:
0xde: {  	p0 =	sne.s32 s0, $0x3FFC0;
	[tilespmem:s24+$0x0] =	vst v1;
	s5 =	smov.u32 s0;
	s0 =	sadd.s32 $0x40, s0  }
.Ltmp6:
0xdf: {  	(pc) =	sbr.rel @p0 .LBB2_14-.Ltmp6, $2  }
0xe0: {  	_ =	sdelay $0x2  }
0xe1: {  	s24 =	sshra.s32 s5, $0x2  }
0xe2: {  	[tilespmem:s24+$0x0] =	vst v1;
	s24 =	simm.s32 $0x0  }
0xe3: {  	[tilespmem:s11], [sflag:$0x1] =	stream.linear.gather [hbm4b:s1+s24], $0x2000, $0x38;
	[tilespmem:$0x1A080] =	vst v63  }
0xe4: {  	s25 =	simm.s32 $0x0  }
0xe5: {  	[tilespmem:s14], [sflag:$0x1] =	stream.strided.gather [hbm4b:s8+s12], $0x2000, s13, s12, $0x38;
	[tilespmem:$0x1A080] =	vst v63  }
.LBB2_16:
0xe6: {  	s0 =	sshllo.u32 s25, $0x1  }
0xe7: {  	s5 =	sshll.u32 s0, $0xA  }
0xe8: {  	s0 =	sshll.u32 s0, $0xB;
	s5 =	sadd.s32 s1, s5  }
0xe9: {  	[tilespmem:s15], [sflag:$0x2] =	stream.linear.gather [hbm4b:s5+s24], $0x2000, $0x38;
	[tilespmem:$0x1A080] =	vst v63  }
0xea: {  	s0 =	sadd.s32 s0, s8  }
0xeb: {  	[tilespmem:s16], [sflag:$0x2] =	stream.strided.gather [hbm4b:s0+s12], $0x2000, s13, s12, $0x38;
	[tilespmem:$0x1A080] =	vst v63  }
0xec: {  	_ =	swait.ge [sflag:s17], $0x2000  }
0xed: {  	[sflag:s17] =	ssyncset.done $0x0  }
0xee: {  	[sflag:s17] =	ssyncadd.s32 $0xFFFFE000  }
0xef: {  	_ =	swait.ge [sflag:s17], $0x2000  }
0xf0: {  	[sflag:s17] =	ssyncset.done $0x0  }
0xf1: {  	s31 =	simm.s32 $0x0;
	[sflag:s17] =	ssyncadd.s32 $0xFFFFE000  }
0xf2: {  	v11 =	vld [tilespmem:s31+$0x10040]  }
0xf3: {  	v10 =	vld [tilespmem:s31+$0x10030]  }
0xf4: {  	v7 =	vld [tilespmem:s31+$0x10020]  }
0xf5: {  	v5 =	vld [tilespmem:s31+$0x10000]  }
0xf6: {  	v6 =	vld [tilespmem:s31+$0x10010]  }
0xf7: {  	v12 =	vld [tilespmem:s31+$0x10050]  }
0xf8: {  	v13 =	vld [tilespmem:s31+$0x10060]  }
0xf9: {  	v14 =	vld [tilespmem:s31+$0x10070]  }
0xfa: {  	v15 =	vld [tilespmem:s31+$0x14000];
	v8 =	vshra.s32 v5, $0x10  }
0xfb: {  	v16 =	vld [tilespmem:s31+$0x14010];
	vm1 =	veq.s32 v8, v0  }
0xfc: {  	v17 =	vld [tilespmem:s31+$0x14020];
	v18 =	vand.u32 $0xFFFF, v5  }
0xfd: {  	v9 =	vshra.s32 v6, $0x10;
	v5 =	vld [tilespmem:s31+$0x14030]  }
0xfe: {  	v19 =	vand.u32 $0xFFFF, v6;
	v6 =	vld [tilespmem:s31+$0x14040];
	v8 =	vshra.s32 v7, $0x10;
	vm4 =	veq.s32 v9, v0  }
0xff: {  	v20 =	vand.u32 $0xFFFF, v7;
	v7 =	vld [tilespmem:s31+$0x14060];
	vm5 =	veq.s32 v8, v0;
	v8 =	vshra.s32 v10, $0x10  }
0x100: {  	v21 =	vshra.s32 v11, $0x10;
	v9 =	vld [tilespmem:s31+$0x14050];
	vm0 =	veq.s32 v8, v0  }
0x101: {  	v22 =	vshra.s32 v12, $0x10;
	v10 =	vand.u32 $0xFFFF, v10;
	v8 =	vld [tilespmem:s31+$0x14070];
	[tilespmem:v18+s6+$0x0] =	vst.idx.msk vm1, v15;
	vm1 =	veq.s32 v21, v0  }
0x102: {  	v23 =	vshra.s32 v13, $0x10;
	v11 =	vand.u32 $0xFFFF, v11;
	vm2 =	veq.s32 v22, v0  }
0x103: {  	v24 =	vshra.s32 v14, $0x10;
	v12 =	vand.u32 $0xFFFF, v12;
	vm3 =	veq.s32 v23, v0  }
0x104: {  	v13 =	vand.u32 $0xFFFF, v13;
	[tilespmem:v19+s6+$0x0] =	vst.idx.msk vm4, v16;
	vm4 =	veq.s32 v24, v0  }
0x105: {  	s26 =	sshll.u32 s25, $0x1;
	s28 =	simm.s32 $0x200;
	v14 =	vand.u32 $0xFFFF, v14;
	[tilespmem:v20+s6+$0x0] =	vst.idx.msk vm5, v17  }
.LBB2_17:
0x106: {  	p0 =	sne.s32 s28, $0x7E00;
	[tilespmem:v10+s6+$0x0] =	vst.idx.msk vm0, v5;
	s0 =	smov.u32 s28;
	s28 =	sadd.s32 $0x200, s28  }
0x107: {  	[tilespmem:v11+s6+$0x0] =	vst.idx.msk vm1, v6  }
0x108: {  	[tilespmem:v12+s6+$0x0] =	vst.idx.msk vm2, v9  }
0x109: {  	[tilespmem:v13+s6+$0x0] =	vst.idx.msk vm3, v7  }
0x10a: {  	s0 =	sshra.s32 s0, $0x2;
	[tilespmem:v14+s6+$0x0] =	vst.idx.msk vm4, v8  }
0x10b: {  	v8 =	vld [tilespmem:s0+$0x10040]  }
0x10c: {  	v9 =	vld [tilespmem:s0+$0x10030]  }
0x10d: {  	v7 =	vld [tilespmem:s0+$0x10020]  }
0x10e: {  	v6 =	vld [tilespmem:s0+$0x10010]  }
0x10f: {  	v5 =	vld [tilespmem:s0+$0x10000]  }
0x110: {  	v12 =	vld [tilespmem:s0+$0x10050];
	v11 =	vshra.s32 v8, $0x10  }
0x111: {  	v13 =	vld [tilespmem:s0+$0x10060];
	v10 =	vshra.s32 v9, $0x10  }
0x112: {  	v14 =	vld [tilespmem:s0+$0x10070];
	v15 =	vshra.s32 v7, $0x10  }
0x113: {  	v16 =	vld [tilespmem:s0+$0x14000];
	v17 =	vshra.s32 v6, $0x10  }
0x114: {  	vm0 =	veq.s32 v10, v0;
	v18 =	vld [tilespmem:s0+$0x14010];
	v19 =	vshra.s32 v5, $0x10  }
0x115: {  	vm5 =	veq.s32 v17, v0;
	v20 =	vld [tilespmem:s0+$0x14020];
	vm4 =	veq.s32 v19, v0;
	v19 =	vand.u32 $0xFFFF, v5  }
0x116: {  	vm6 =	veq.s32 v15, v0;
	v17 =	vand.u32 $0xFFFF, v6;
	v15 =	vshra.s32 v12, $0x10;
	v5 =	vld [tilespmem:s0+$0x14030]  }
0x117: {  	v21 =	vand.u32 $0xFFFF, v7;
	v22 =	vshra.s32 v13, $0x10;
	v6 =	vld [tilespmem:s0+$0x14040];
	v23 =	vshra.s32 v14, $0x10  }
0x118: {  	vm1 =	veq.s32 v11, v0;
	v10 =	vand.u32 $0xFFFF, v9;
	v7 =	vld [tilespmem:s0+$0x14060]  }
.Ltmp7:
0x119: {  	v11 =	vand.u32 $0xFFFF, v8;
	vm2 =	veq.s32 v15, v0;
	v9 =	vld [tilespmem:s0+$0x14050];
	(pc) =	sbr.rel @p0 .LBB2_17-.Ltmp7, $4  }
0x11a: {  	v12 =	vand.u32 $0xFFFF, v12;
	vm3 =	veq.s32 v22, v0;
	v8 =	vld [tilespmem:s0+$0x14070]  }
0x11b: {  	v13 =	vand.u32 $0xFFFF, v13;
	[tilespmem:v19+s6+$0x0] =	vst.idx.msk vm4, v16;
	vm4 =	veq.s32 v23, v0  }
0x11c: {  	v14 =	vand.u32 $0xFFFF, v14;
	[tilespmem:v17+s6+$0x0] =	vst.idx.msk vm5, v18  }
0x11d: {  	[tilespmem:v21+s6+$0x0] =	vst.idx.msk vm6, v20  }
0x11e: {  	_ =	sdelay $0x4  }
0x11f: {  	[tilespmem:v10+s6+$0x0] =	vst.idx.msk vm0, v5  }
0x120: {  	p0 =	seq.s32 s25, $0x7F;
	[tilespmem:v11+s6+$0x0] =	vst.idx.msk vm1, v6  }
0x121: {  	s0 =	sadd.s32 @!p0 $0x2, s26;
	[tilespmem:v12+s6+$0x0] =	vst.idx.msk vm2, v9  }
0x122: {  	s22 =	simm.s32 @!p0 $0x0;
	s5 =	sshll.u32 @!p0 s0, $0xA;
	s0 =	sshll.u32 @!p0 s0, $0xB;
	[tilespmem:v13+s6+$0x0] =	vst.idx.msk vm3, v7  }
0x123: {  	s26 =	simm.s32 @!p0 $0x10000;
	s5 =	sadd.s32 @!p0 s1, s5;
	s0 =	sadd.s32 @!p0 s0, s8;
	[tilespmem:v14+s6+$0x0] =	vst.idx.msk vm4, v8  }
0x124: {  	[tilespmem:s26], [sflag:$0x1] =	stream.linear.gather @!p0 [hbm4b:s5+s22], $0x2000, $0x38;
	[tilespmem:$0x1A080] =	vst v63  }
0x125: {  	s5 =	simm.s32 @!p0 $0x80;
	s22 =	simm.s32 @!p0 $0x100;
	s26 =	simm.s32 @!p0 $0x14000  }
0x126: {  	[tilespmem:s26], [sflag:$0x1] =	stream.strided.gather @!p0 [hbm4b:s0+s5], $0x2000, s22, s5, $0x38;
	[tilespmem:$0x1A080] =	vst v63  }
0x127: {  	_ =	swait.ge [sflag:s18], $0x2000  }
0x128: {  	[sflag:s18] =	ssyncset.done $0x0  }
0x129: {  	[sflag:s18] =	ssyncadd.s32 $0xFFFFE000  }
0x12a: {  	_ =	swait.ge [sflag:s18], $0x2000  }
0x12b: {  	[sflag:s18] =	ssyncset.done $0x0  }
0x12c: {  	s31 =	simm.s32 $0x0;
	[sflag:s18] =	ssyncadd.s32 $0xFFFFE000  }
0x12d: {  	v11 =	vld [tilespmem:s31+$0x12040]  }
0x12e: {  	v10 =	vld [tilespmem:s31+$0x12030]  }
0x12f: {  	v7 =	vld [tilespmem:s31+$0x12020]  }
0x130: {  	v5 =	vld [tilespmem:s31+$0x12000]  }
0x131: {  	v6 =	vld [tilespmem:s31+$0x12010]  }
0x132: {  	v12 =	vld [tilespmem:s31+$0x12050]  }
0x133: {  	v13 =	vld [tilespmem:s31+$0x12060]  }
0x134: {  	v14 =	vld [tilespmem:s31+$0x12070]  }
0x135: {  	v15 =	vld [tilespmem:s31+$0x16000];
	v8 =	vshra.s32 v5, $0x10  }
0x136: {  	v16 =	vld [tilespmem:s31+$0x16010];
	vm1 =	veq.s32 v8, v0  }
0x137: {  	v17 =	vld [tilespmem:s31+$0x16020];
	v18 =	vand.u32 $0xFFFF, v5  }
0x138: {  	v9 =	vshra.s32 v6, $0x10;
	v5 =	vld [tilespmem:s31+$0x16030]  }
0x139: {  	v19 =	vand.u32 $0xFFFF, v6;
	v6 =	vld [tilespmem:s31+$0x16040];
	v8 =	vshra.s32 v7, $0x10;
	vm4 =	veq.s32 v9, v0  }
0x13a: {  	v20 =	vand.u32 $0xFFFF, v7;
	v7 =	vld [tilespmem:s31+$0x16060];
	vm5 =	veq.s32 v8, v0;
	v8 =	vshra.s32 v10, $0x10  }
0x13b: {  	v21 =	vshra.s32 v11, $0x10;
	v9 =	vld [tilespmem:s31+$0x16050];
	vm0 =	veq.s32 v8, v0  }
0x13c: {  	v22 =	vshra.s32 v12, $0x10;
	v10 =	vand.u32 $0xFFFF, v10;
	v8 =	vld [tilespmem:s31+$0x16070];
	[tilespmem:v18+s6+$0x0] =	vst.idx.msk vm1, v15;
	vm1 =	veq.s32 v21, v0  }
0x13d: {  	v23 =	vshra.s32 v13, $0x10;
	v11 =	vand.u32 $0xFFFF, v11;
	vm2 =	veq.s32 v22, v0  }
0x13e: {  	v24 =	vshra.s32 v14, $0x10;
	v12 =	vand.u32 $0xFFFF, v12;
	vm3 =	veq.s32 v23, v0  }
0x13f: {  	v13 =	vand.u32 $0xFFFF, v13;
	[tilespmem:v19+s6+$0x0] =	vst.idx.msk vm4, v16;
	vm4 =	veq.s32 v24, v0  }
0x140: {  	s26 =	simm.s32 $0x200;
	v14 =	vand.u32 $0xFFFF, v14;
	[tilespmem:v20+s6+$0x0] =	vst.idx.msk vm5, v17  }
.LBB2_19:
0x141: {  	p0 =	sne.s32 s26, $0x7E00;
	[tilespmem:v10+s6+$0x0] =	vst.idx.msk vm0, v5;
	s0 =	smov.u32 s26;
	s26 =	sadd.s32 $0x200, s26  }
0x142: {  	[tilespmem:v11+s6+$0x0] =	vst.idx.msk vm1, v6  }
0x143: {  	[tilespmem:v12+s6+$0x0] =	vst.idx.msk vm2, v9  }
0x144: {  	[tilespmem:v13+s6+$0x0] =	vst.idx.msk vm3, v7  }
0x145: {  	s0 =	sshra.s32 s0, $0x2;
	[tilespmem:v14+s6+$0x0] =	vst.idx.msk vm4, v8  }
0x146: {  	v8 =	vld [tilespmem:s0+$0x12040]  }
0x147: {  	v9 =	vld [tilespmem:s0+$0x12030]  }
0x148: {  	v7 =	vld [tilespmem:s0+$0x12020]  }
0x149: {  	v6 =	vld [tilespmem:s0+$0x12010]  }
0x14a: {  	v5 =	vld [tilespmem:s0+$0x12000]  }
0x14b: {  	v12 =	vld [tilespmem:s0+$0x12050];
	v11 =	vshra.s32 v8, $0x10  }
0x14c: {  	v13 =	vld [tilespmem:s0+$0x12060];
	v10 =	vshra.s32 v9, $0x10  }
0x14d: {  	v14 =	vld [tilespmem:s0+$0x12070];
	v15 =	vshra.s32 v7, $0x10  }
0x14e: {  	v16 =	vld [tilespmem:s0+$0x16000];
	v17 =	vshra.s32 v6, $0x10  }
0x14f: {  	vm0 =	veq.s32 v10, v0;
	v18 =	vld [tilespmem:s0+$0x16010];
	v19 =	vshra.s32 v5, $0x10  }
0x150: {  	vm5 =	veq.s32 v17, v0;
	v20 =	vld [tilespmem:s0+$0x16020];
	vm4 =	veq.s32 v19, v0;
	v19 =	vand.u32 $0xFFFF, v5  }
0x151: {  	vm6 =	veq.s32 v15, v0;
	v17 =	vand.u32 $0xFFFF, v6;
	v15 =	vshra.s32 v12, $0x10;
	v5 =	vld [tilespmem:s0+$0x16030]  }
0x152: {  	v21 =	vand.u32 $0xFFFF, v7;
	v22 =	vshra.s32 v13, $0x10;
	v6 =	vld [tilespmem:s0+$0x16040];
	v23 =	vshra.s32 v14, $0x10  }
0x153: {  	vm1 =	veq.s32 v11, v0;
	v10 =	vand.u32 $0xFFFF, v9;
	v7 =	vld [tilespmem:s0+$0x16060]  }
.Ltmp8:
0x154: {  	v11 =	vand.u32 $0xFFFF, v8;
	vm2 =	veq.s32 v15, v0;
	v9 =	vld [tilespmem:s0+$0x16050];
	(pc) =	sbr.rel @p0 .LBB2_19-.Ltmp8, $4  }
0x155: {  	v12 =	vand.u32 $0xFFFF, v12;
	vm3 =	veq.s32 v22, v0;
	v8 =	vld [tilespmem:s0+$0x16070]  }
0x156: {  	v13 =	vand.u32 $0xFFFF, v13;
	[tilespmem:v19+s6+$0x0] =	vst.idx.msk vm4, v16;
	vm4 =	veq.s32 v23, v0  }
0x157: {  	v14 =	vand.u32 $0xFFFF, v14;
	[tilespmem:v17+s6+$0x0] =	vst.idx.msk vm5, v18  }
0x158: {  	[tilespmem:v21+s6+$0x0] =	vst.idx.msk vm6, v20  }
0x159: {  	_ =	sdelay $0x2  }
0x15a: {  	s25 =	sadd.s32 $0x1, s25  }
0x15b: {  	p0 =	sne.s32 s25, $0x80  }
.Ltmp9:
0x15c: {  	[tilespmem:v10+s6+$0x0] =	vst.idx.msk vm0, v5;
	(pc) =	sbr.rel @p0 .LBB2_16-.Ltmp9, $4  }
0x15d: {  	[tilespmem:v11+s6+$0x0] =	vst.idx.msk vm1, v6  }
0x15e: {  	[tilespmem:v12+s6+$0x0] =	vst.idx.msk vm2, v9  }
0x15f: {  	[tilespmem:v13+s6+$0x0] =	vst.idx.msk vm3, v7  }
0x160: {  	[tilespmem:v14+s6+$0x0] =	vst.idx.msk vm4, v8  }
0x161: {  	s24 =	simm.s32 $0x0  }
.LBB2_22:
0x162: {  	s26 =	sshll.u32 s24, $0xC  }
0x163: {  	s0 =	sor.u32 s7, s26  }
0x164: {  	s0 =	sshrl.u32 s0, $0x2  }
0x165: {  	s25 =	sor.u32 $0x10, s0  }
0x166: {  	s0 =	sadd.s32 s3, s25  }
0x167: {  	[tilespmem:s19], [sflag:$0x3] =	stream.strided.gather [hbm4b:s0+s12], $0x1000, s13, s12, $0x38;
	[tilespmem:$0x1A080] =	vst v63  }
0x168: {  	_ =	swait.ge [sflag:s20], $0x1000  }
0x169: {  	s22 =	simm.s32 $0x0;
	[sflag:s20] =	ssyncset.done $0x0  }
0x16a: {  	s28 =	simm.s32 $0x18020;
	s5 =	sand.u32 $0xF80, s22;
	[sflag:s20] =	ssyncadd.s32 $0xFFFFF000  }
0x16b: {  	s5 =	sadd.s32 s5, s26;
	s0 =	sand.u32 $0x40, s22;
	v5 =	vld [tilespmem:s28+$0xFFFFFFE0]  }
0x16c: {  	s0 =	sadd.s32 s0, s5  }
0x16d: {  	v6 =	vld [tilespmem:s0+$0x0];
	_ =	sdelay $0x2  }
0x16e: {  	v7 =	vmul.f32 $9.499999880e-01, v5;
	_ =	sdelay $0x1  }
0x16f: {  	vm0 =	vge.f32 v5, $0.0e+00;
	v6 =	vmax.f32 v7, v6  }
0x170: {  	s29 =	simm.s32 $0x19020;
	v5 =	vsel vm0, v6, v5  }
0x171: {  	s22 =	simm.s32 $0x10;
	[tilespmem:s29+$0xFFFFFFE0] =	vst v5  }
0x172: {  	s0 =	sand.u32 $0x50, s22;
	v5 =	vld [tilespmem:s28+$0xFFFFFFF0]  }
0x173: {  	s0 =	sadd.s32 s0, s5  }
0x174: {  	v7 =	vld [tilespmem:s0+$0x0];
	_ =	sdelay $0x2  }
0x175: {  	v8 =	vmul.f32 $9.499999880e-01, v5;
	_ =	sdelay $0x1  }
0x176: {  	vm1 =	vge.f32 v5, $0.0e+00;
	v7 =	vmax.f32 v8, v7  }
0x177: {  	v5 =	vsel vm1, v7, v5  }
0x178: {  	s22 =	simm.s32 $0x20;
	[tilespmem:s29+$0xFFFFFFF0] =	vst v5  }
0x179: {  	s0 =	sand.u32 $0x60, s22;
	v5 =	vld [tilespmem:s28+$0x0]  }
0x17a: {  	s0 =	sadd.s32 s0, s5  }
0x17b: {  	v8 =	vld [tilespmem:s0+$0x0];
	_ =	sdelay $0x2  }
0x17c: {  	v9 =	vmul.f32 $9.499999880e-01, v5;
	_ =	sdelay $0x1  }
0x17d: {  	vm2 =	vge.f32 v5, $0.0e+00;
	v8 =	vmax.f32 v9, v8  }
0x17e: {  	v5 =	vsel vm2, v8, v5  }
0x17f: {  	[tilespmem:s29+$0x0] =	vst v5;
	v5 =	vnsel vm0, $0x0, v6  }
0x180: {  	v63 =	vsel vm0, $0x3F800000, v2;
	v4 =	vadd.f32 v5, v4  }
0x181: {  	v3 =	vadd.f32 v63, v3;
	s22 =	simm.s32 $0x30;
	v5 =	vnsel vm1, $0x0, v7  }
0x182: {  	s0 =	sand.u32 $0x70, s22;
	v6 =	vld [tilespmem:s28+$0x10];
	v7 =	vsel vm1, $0x3F800000, v2;
	v4 =	vadd.f32 v5, v4  }
0x183: {  	s0 =	sadd.s32 s0, s5;
	v5 =	vadd.f32 v7, v3;
	v3 =	vnsel vm2, $0x0, v8  }
0x184: {  	v3 =	vadd.f32 v3, v4;
	v4 =	vld [tilespmem:s0+$0x0];
	_ =	sdelay $0x1  }
0x185: {  	v7 =	vsel vm2, $0x3F800000, v2  }
0x186: {  	v5 =	vadd.f32 v7, v5;
	v7 =	vmul.f32 $9.499999880e-01, v6  }
0x187: {  	s30 =	simm.s32 $0x0;
	s31 =	simm.s32 $0x70  }
.LBB2_23:
0x188: {  	s0 =	sadd.s32 $0xFFFFFFD0, s31;
	vm0 =	vge.f32 v6, $0.0e+00;
	v4 =	vmax.f32 v7, v4  }
0x189: {  	s30 =	sadd.s32 $0x4, s30;
	s28 =	sadd.s32 $0x40, s28;
	s5 =	sand.u32 $0xF80, s0;
	v6 =	vsel vm0, v4, v6;
	v4 =	vnsel vm0, $0x0, v4;
	v7 =	vsel vm0, $0x3F800000, v2  }
0x18a: {  	s22 =	sand.u32 $0x40, s0;
	p0 =	slt.u32 s30, $0xFC;
	s0 =	sadd.s32 s5, s26;
	[tilespmem:s29+$0x10] =	vst v6;
	v3 =	vadd.f32 v4, v3;
	v4 =	vadd.f32 v7, v5  }
0x18b: {  	v5 =	vld [tilespmem:s28+$0xFFFFFFE0];
	s5 =	sadd.s32 s22, s0  }
0x18c: {  	v6 =	vld [tilespmem:s5+$0x0];
	_ =	sdelay $0x3  }
0x18d: {  	v7 =	vmul.f32 $9.499999880e-01, v5;
	_ =	sdelay $0x1  }
0x18e: {  	vm0 =	vge.f32 v5, $0.0e+00;
	v6 =	vmax.f32 v7, v6  }
0x18f: {  	s29 =	sadd.s32 $0x40, s29;
	v7 =	vsel vm0, $0x3F800000, v2;
	v5 =	vsel vm0, v6, v5;
	v6 =	vnsel vm0, $0x0, v6  }
0x190: {  	s5 =	sadd.s32 $0xFFFFFFE0, s31;
	v4 =	vadd.f32 v7, v4;
	[tilespmem:s29+$0xFFFFFFE0] =	vst v5;
	v3 =	vadd.f32 v6, v3  }
0x191: {  	s5 =	sand.u32 $0x50, s5;
	v5 =	vld [tilespmem:s28+$0xFFFFFFF0]  }
0x192: {  	s5 =	sadd.s32 s5, s0  }
0x193: {  	v6 =	vld [tilespmem:s5+$0x0];
	_ =	sdelay $0x2  }
0x194: {  	v7 =	vmul.f32 $9.499999880e-01, v5;
	_ =	sdelay $0x1  }
0x195: {  	vm0 =	vge.f32 v5, $0.0e+00;
	v6 =	vmax.f32 v7, v6  }
0x196: {  	v7 =	vsel vm0, $0x3F800000, v2;
	v5 =	vsel vm0, v6, v5;
	v6 =	vnsel vm0, $0x0, v6  }
0x197: {  	s5 =	sadd.s32 $0xFFFFFFF0, s31;
	v4 =	vadd.f32 v7, v4;
	[tilespmem:s29+$0xFFFFFFF0] =	vst v5;
	v3 =	vadd.f32 v6, v3  }
0x198: {  	s5 =	sand.u32 $0x60, s5;
	v5 =	vld [tilespmem:s28+$0x0]  }
0x199: {  	s5 =	sadd.s32 s5, s0  }
0x19a: {  	v6 =	vld [tilespmem:s5+$0x0];
	_ =	sdelay $0x2  }
0x19b: {  	v7 =	vmul.f32 $9.499999880e-01, v5;
	_ =	sdelay $0x1  }
0x19c: {  	vm0 =	vge.f32 v5, $0.0e+00;
	v6 =	vmax.f32 v7, v6  }
0x19d: {  	v7 =	vsel vm0, $0x3F800000, v2;
	v5 =	vsel vm0, v6, v5;
	v6 =	vnsel vm0, $0x0, v6  }
0x19e: {  	s5 =	sand.u32 $0x70, s31;
	[tilespmem:s29+$0x0] =	vst v5;
	v3 =	vadd.f32 v6, v3;
	v5 =	vadd.f32 v7, v4  }
0x19f: {  	s0 =	sadd.s32 s5, s0;
	v6 =	vld [tilespmem:s28+$0x10]  }
0x1a0: {  	v4 =	vld [tilespmem:s0+$0x0]  }
.Ltmp10:
0x1a1: {  	(pc) =	sbr.rel @p0 .LBB2_23-.Ltmp10, $3  }
0x1a2: {  	_ =	sdelay $0x1  }
0x1a3: {  	v7 =	vmul.f32 $9.499999880e-01, v6  }
0x1a4: {  	s31 =	sadd.s32 $0x40, s31  }
0x1a5: {  	vm0 =	vge.f32 v6, $0.0e+00;
	v4 =	vmax.f32 v7, v4;
	s24 =	sadd.s32 $0x1, s24  }
0x1a6: {  	v6 =	vsel vm0, v4, v6;
	p0 =	sne.s32 s24, $0x10  }
.Ltmp11:
0x1a7: {  	s0 =	sadd.s32 s4, s25;
	[tilespmem:s29+$0x10] =	vst v6;
	(pc) =	sbr.rel @p0 .LBB2_22-.Ltmp11, $4  }
0x1a8: {  	[hbm4b:s0+s12] =	stream.strided.scatter [tilespmem:s21], [sflag:$0x3], $0x1000, s13, s12, $0x38;
	[tilespmem:$0x1A080] =	vst v63  }
0x1a9: {  	_ =	swait.ge [sflag:s20], $0x1000  }
0x1aa: {  	v4 =	vnsel vm0, $0x0, v4;
	v6 =	vsel vm0, $0x3F800000, v2;
	[sflag:s20] =	ssyncset.done $0x0  }
0x1ab: {  	v4 =	vadd.f32 v4, v3;
	v3 =	vadd.f32 v6, v5;
	[sflag:s20] =	ssyncadd.s32 $0xFFFFF000  }
0x1ac: {  	s23 =	sadd.s32 $0x1, s23  }
0x1ad: {  	[tilespmem:$0x1A000] =	vst v4;
	p0 =	sne.s32 s23, s10  }
.Ltmp12:
0x1ae: {  	s0 =	simm.s32 $0x1A000;
	[tilespmem:$0x1A010] =	vst v3;
	(pc) =	sbr.rel @p0 .LBB2_1-.Ltmp12, $4  }
0x1af: {  	[hbm4b:s9+s6] =	stream.linear.scatter [tilespmem:s0], [sflag:$0x3], $0x80, $0x38;
	[tilespmem:$0x1A080] =	vst v63  }
0x1b0: {  	_ =	swait.ge [sflag:s20], $0x80  }
0x1b1: {  	[sflag:s20] =	ssyncset.done $0x0  }
0x1b2: {  	[sflag:s20] =	ssyncadd.s32 $0xFFFFFF80  }
0x1b3: {  	_ =	sfence.sel $0x180000  }
0x1b4: {  	[bflag:$0x0] =	sbarrier.arrive $0xFFFF  }
0x1b5: {  	_ =	strace $0x90000047  }
0x1b6: {  	s0 =	stileid.u32;
	[bflag:$0x2] =	sbarrier.arrive $0xFFFF  }
0x1b7: {  	p0 =	sne.s32 s0, $0x0;
	s0 =	rddreg [dreg:$0x5]  }
0x1b8: {  	s0 =	sadd.s32 @!p0 $0x100000, s0  }
0x1b9: {  	[sflag:s0] =	ssyncadd.tile.s32 @!p0 $0x1;
	_ =	shalt  }
.Lfunc_end2:
_tile_overlayer_lowered:
.L_overlay_start_2:
0x1ba: {  	(tag) =	ssettag $0x2  }
0x1bb: {  	s0 =	rddreg [dreg:$0x0];
	s2 =	stileid.u32  }
0x1bc: {  	s1 =	rddreg [dreg:$0x1];
	p0 =	sne.s32 s2, $0x0  }
0x1bd: {  	s3 =	rddreg [dreg:$0x2];
	[bflag:$0x3] =	sbarrier.arrive $0xFFFF;
	s2 =	simm.s32 @!p0 $0x1C03  }
0x1be: {  	[timem:s3], [sflag:s2] =	dma.local @!p0 [hbm:s0], s1  }
0x1bf: {  	s0 =	simm.s32 @!p0 $0x3  }
0x1c0: {  	_ =	swait.ge @!p0 [sflag:s0], s1  }
0x1c1: {  	s1 =	ssub.s32 @!p0 $0x0, s1;
	[sflag:s0] =	ssyncset.done @!p0 $0x0  }
0x1c2: {  	[sflag:s0] =	ssyncadd.s32 @!p0 s1  }
0x1c3: {  	[bflag:$0x3] =	sbarrier.arrive $0xFFFF  }
0x1c4: {  	_ =	shalt  }

</sc_bundles>
